<compile_context>
chip_gen: v7x
topology: tpu7x:2x2x1
jax: 0.10.2.dev20260603
libtpu: 0.0.44.dev20260713+nightly
codegen_flags: <defaults>
</compile_context>

<pallas_src>
import functools

import jax
import jax.numpy as jnp
from jax import lax
from jax.experimental import pallas as pl
from jax.experimental.pallas import tpu as pltpu
from jax.experimental.pallas import tpu_sc as plsc

WD, TD, PD = 128, 32, 32
OUT_D = WD + TD + PD + PD
NC, NS = 2, 16
NW = NC * NS
NBUF = 2


@functools.partial(jax.jit, static_argnames=("T", "C", "nchunk"))
def _emb_call(idx_w, idx_t, idx_p1, idx_p2, word_table, tag_table, pos_table,
              T, C, nchunk):
    tpw = T // NW
    mesh = plsc.VectorSubcoreMesh(core_axis_name="c", subcore_axis_name="s")

    buf_types = []
    for _ in range(NBUF):
        buf_types += [
            pltpu.VMEM((C, WD), jnp.float32),
            pltpu.VMEM((C, TD), jnp.float32),
            pltpu.VMEM((C, PD), jnp.float32),
            pltpu.VMEM((C, PD), jnp.float32),
            pltpu.SemaphoreType.DMA,
            pltpu.SemaphoreType.DMA,
        ]

    @functools.partial(
        pl.kernel,
        out_type=jax.ShapeDtypeStruct((T, OUT_D), jnp.float32),
        mesh=mesh,
        scratch_types=[pltpu.VMEM((4, nchunk, C), jnp.int32)] + buf_types,
        compiler_params=pltpu.CompilerParams(use_tc_tiling_on_sc=False, disable_bounds_checks=True, disable_semaphore_checks=True),
    )
    def emb(iw_hbm, it_hbm, ip1_hbm, ip2_hbm, wt_hbm, tt_hbm, pt_hbm, out_hbm,
            idx_v, *bufs):
        slots = [bufs[6 * b:6 * b + 6] for b in range(NBUF)]
        wid = lax.axis_index("s") * NC + lax.axis_index("c")
        pltpu.sync_copy(iw_hbm.at[wid], idx_v.at[0])
        pltpu.sync_copy(it_hbm.at[wid], idx_v.at[1])
        pltpu.sync_copy(ip1_hbm.at[wid], idx_v.at[2])
        pltpu.sync_copy(ip2_hbm.at[wid], idx_v.at[3])

        def fire(i, b):
            wbuf, tbuf, p1buf, p2buf, gsem, _ = slots[b]
            pltpu.async_copy(wt_hbm.at[idx_v.at[0, i]], wbuf, gsem)
            pltpu.async_copy(tt_hbm.at[idx_v.at[1, i]], tbuf, gsem)
            pltpu.async_copy(pt_hbm.at[idx_v.at[2, i]], p1buf, gsem)
            pltpu.async_copy(pt_hbm.at[idx_v.at[3, i]], p2buf, gsem)

        def drain_gather_fire_write(i, b):
            wbuf, tbuf, p1buf, p2buf, gsem, wsem = slots[b]
            pltpu.make_async_copy(wt_hbm.at[idx_v.at[0, i]], wbuf, gsem).wait()
            pltpu.make_async_copy(tt_hbm.at[idx_v.at[1, i]], tbuf, gsem).wait()
            pltpu.make_async_copy(pt_hbm.at[idx_v.at[2, i]], p1buf, gsem).wait()
            pltpu.make_async_copy(pt_hbm.at[idx_v.at[3, i]], p2buf, gsem).wait()
            base = wid * tpw + i * C
            pltpu.async_copy(wbuf, out_hbm.at[pl.ds(base, C), pl.ds(0, WD)], wsem)
            pltpu.async_copy(tbuf, out_hbm.at[pl.ds(base, C), pl.ds(WD, TD)], wsem)
            pltpu.async_copy(p1buf, out_hbm.at[pl.ds(base, C), pl.ds(WD + TD, PD)], wsem)
            pltpu.async_copy(p2buf, out_hbm.at[pl.ds(base, C), pl.ds(WD + TD + PD, PD)], wsem)

        def drain_write(i, b):
            wbuf, tbuf, p1buf, p2buf, _, wsem = slots[b]
            base = wid * tpw + i * C
            pltpu.make_async_copy(wbuf, out_hbm.at[pl.ds(base, C), pl.ds(0, WD)], wsem).wait()
            pltpu.make_async_copy(tbuf, out_hbm.at[pl.ds(base, C), pl.ds(WD, TD)], wsem).wait()
            pltpu.make_async_copy(p1buf, out_hbm.at[pl.ds(base, C), pl.ds(WD + TD, PD)], wsem).wait()
            pltpu.make_async_copy(p2buf, out_hbm.at[pl.ds(base, C), pl.ds(WD + TD + PD, PD)], wsem).wait()

        for b in range(NBUF):
            fire(b, b)

        @pl.loop(0, nchunk // NBUF)
        def body(j):
            for b in range(NBUF):
                i = j * NBUF + b
                drain_gather_fire_write(i, b)

                @pl.when(i + NBUF < nchunk)
                def _():
                    drain_write(i, b)
                    fire(i + NBUF, b)

                @pl.when(i + NBUF >= nchunk)
                def _():
                    drain_write(i, b)

    return emb(idx_w, idx_t, idx_p1, idx_p2, word_table, tag_table, pos_table)


def kernel(word_id, tag_id, pos_1, pos_2, word_table, tag_table, pos_table):
    B, L = word_id.shape
    T = B * L
    C = 128
    nchunk = T // (NW * C)
    shape = (NW, nchunk, C)
    out = _emb_call(
        word_id.reshape(shape).astype(jnp.int32),
        tag_id.reshape(shape).astype(jnp.int32),
        pos_1.reshape(shape).astype(jnp.int32),
        pos_2.reshape(shape).astype(jnp.int32),
        word_table, tag_table, pos_table,
        T=T, C=C, nchunk=nchunk,
    )
    return out.reshape(B, L, OUT_D)

# --- scband reference (transcript-rebuilt; emitter-appended) ---
"""Pipeline reference for scband-graph-71751723646996 (READ-ONLY COPY).

The authoritative reference and input builder live on the scoring server;
editing this copy changes nothing except your own understanding.
"""

import jax, jax.numpy as jnp
import numpy as np

VOCAB = 100000
WORD_DIM = 128
TAG_NUM = 50
TAG_DIM = 32
POS_NUM = 512
POS_DIM = 32
B, L = 4096, 50

def setup_inputs(seed: int = 0) -> dict:
    key = jax.random.key(seed)
    k1, k2, k3, k4, k5, k6, k7 = jax.random.split(key, 7)
    word_id = jax.random.randint(k1, (B, L), 0, VOCAB, dtype=jnp.int64) if jax.config.jax_enable_x64 else jax.random.randint(k1, (B, L), 0, VOCAB, dtype=jnp.int32)
    tag_id = jax.random.randint(k2, (B, L), 0, TAG_NUM, dtype=jnp.int32)
    pos_1 = jax.random.randint(k3, (B, L), 0, POS_NUM, dtype=jnp.int32)
    pos_2 = jax.random.randint(k4, (B, L), 0, POS_NUM, dtype=jnp.int32)
    word_table = jax.random.normal(k5, (VOCAB, WORD_DIM), dtype=jnp.float32) * 0.05
    tag_table = jax.random.normal(k6, (TAG_NUM, TAG_DIM), dtype=jnp.float32) * 0.05
    pos_table = jax.random.normal(k7, (POS_NUM, POS_DIM), dtype=jnp.float32) * 0.05
    return {"word_id": word_id, "tag_id": tag_id, "pos_1": pos_1, "pos_2": pos_2,
            "word_table": word_table, "tag_table": tag_table, "pos_table": pos_table}

def reference(word_id, tag_id, pos_1, pos_2, word_table, tag_table, pos_table):
    # Embedding lookups (gathers), matching tf.keras.layers.Embedding semantics
    word_emb = jnp.take(word_table, word_id, axis=0)   # [B, L, 128]
    tag_emb = jnp.take(tag_table, tag_id, axis=0)      # [B, L, 32]
    pos1_emb = jnp.take(pos_table, pos_1, axis=0)      # [B, L, 32]
    pos2_emb = jnp.take(pos_table, pos_2, axis=0)      # [B, L, 32]
    # Concatenate all embeddings to form the sentence vector per token
    sen_vec = jnp.concatenate([word_emb, tag_emb, pos1_emb, pos2_emb], axis=-1)  # [B, L, 224]
    return sen_vec

if __name__ == "__main__":
    import jax
    _d = setup_inputs()
    print(jax.jit(kernel)(*tuple(_d.values())))

</pallas_src>

<mosaic_0001>
#map = affine_map<(d0, d1) -> (0, 0, 0)>
#map1 = affine_map<(d0, d1) -> (0, 0)>
module attributes {stable_mosaic.version = 14 : i64} {
  func.func @emb(%arg0: i32, %arg1: i32, %arg2: memref<32x50x128xi32, #tpu.memory_space<hbm>>, %arg3: memref<32x50x128xi32, #tpu.memory_space<hbm>>, %arg4: memref<32x50x128xi32, #tpu.memory_space<hbm>>, %arg5: memref<32x50x128xi32, #tpu.memory_space<hbm>>, %arg6: memref<100000x128xf32, #tpu.memory_space<hbm>>, %arg7: memref<50x32xf32, #tpu.memory_space<hbm>>, %arg8: memref<512x32xf32, #tpu.memory_space<hbm>>, %arg9: memref<204800x224xf32, #tpu.memory_space<hbm>>, %arg10: memref<4x50x128xi32, #tpu.memory_space<vmem>>, %arg11: memref<128x128xf32, #tpu.memory_space<vmem>>, %arg12: memref<128x32xf32, #tpu.memory_space<vmem>>, %arg13: memref<128x32xf32, #tpu.memory_space<vmem>>, %arg14: memref<128x32xf32, #tpu.memory_space<vmem>>, %arg15: memref<!tpu.dma_semaphore, #tpu.memory_space<semaphore_mem>>, %arg16: memref<!tpu.dma_semaphore, #tpu.memory_space<semaphore_mem>>, %arg17: memref<128x128xf32, #tpu.memory_space<vmem>>, %arg18: memref<128x32xf32, #tpu.memory_space<vmem>>, %arg19: memref<128x32xf32, #tpu.memory_space<vmem>>, %arg20: memref<128x32xf32, #tpu.memory_space<vmem>>, %arg21: memref<!tpu.dma_semaphore, #tpu.memory_space<semaphore_mem>>, %arg22: memref<!tpu.dma_semaphore, #tpu.memory_space<semaphore_mem>>) attributes {dimension_semantics = [#tpu.dimension_semantics<core_parallel>, #tpu.dimension_semantics<subcore_parallel>], iteration_bounds = array<i64: 2, 16>, scalar_prefetch = 0 : i64, scratch_operands = 13 : i64, tpu.core_type = #tpu.core_type<sc_vector_subcore>, window_params = [{transform_indices = #map}, {transform_indices = #map}, {transform_indices = #map}, {transform_indices = #map}, {transform_indices = #map1}, {transform_indices = #map1}, {transform_indices = #map1}, {transform_indices = #map1}]} {
    %mul3A = arith.constant 2 : i32
    %mul3A_0 = arith.muli %arg1, %mul3A : i32
    %add3A = arith.addi %mul3A_0, %arg0 : i32
    %run_scoped3A = arith.constant 0 : i32
    "tpu.region"() ({
      %run_scoped3A_71 = tpu.sem_alloc : memref<!tpu.dma_semaphore, #tpu.memory_space<semaphore_mem>>
      %dma_start3A_72 = arith.constant 0 : i32
      %dma_start3A_73 = arith.constant 0 : i32
      %dma_start3A_74 = tpu.memref_slice %arg10[%run_scoped3A, %dma_start3A_72, %dma_start3A_73] : memref<4x50x128xi32, #tpu.memory_space<vmem>> -> memref<1x50x128xi32, #tpu.memory_space<vmem>>
      %dma_start3A_75 = tpu.memref_squeeze %dma_start3A_74 : memref<1x50x128xi32, #tpu.memory_space<vmem>> -> memref<50x128xi32, #tpu.memory_space<vmem>>
      %dma_start3A_76 = arith.constant 0 : i32
      %dma_start3A_77 = arith.constant 0 : i32
      %dma_start3A_78 = tpu.memref_slice %arg2[%add3A, %dma_start3A_76, %dma_start3A_77] : memref<32x50x128xi32, #tpu.memory_space<hbm>> -> memref<1x50x128xi32, #tpu.memory_space<hbm>>
      %dma_start3A_79 = tpu.memref_squeeze %dma_start3A_78 : memref<1x50x128xi32, #tpu.memory_space<hbm>> -> memref<50x128xi32, #tpu.memory_space<hbm>>
      %dma_start3A_80 = arith.constant 0 : i32
      %dma_start3A_81 = arith.constant 0 : i32
      %dma_start3A_82 = tpu.memref_slice %arg10[%run_scoped3A, %dma_start3A_80, %dma_start3A_81] : memref<4x50x128xi32, #tpu.memory_space<vmem>> -> memref<1x50x128xi32, #tpu.memory_space<vmem>>
      %dma_start3A_83 = tpu.memref_squeeze %dma_start3A_82 : memref<1x50x128xi32, #tpu.memory_space<vmem>> -> memref<50x128xi32, #tpu.memory_space<vmem>>
      %dma_start3A_84 = arith.constant 0 : i32
      %dma_start3A_85 = arith.constant 0 : i32
      %dma_start3A_86 = tpu.memref_slice %arg2[%add3A, %dma_start3A_84, %dma_start3A_85] : memref<32x50x128xi32, #tpu.memory_space<hbm>> -> memref<1x50x128xi32, #tpu.memory_space<hbm>>
      %dma_start3A_87 = tpu.memref_squeeze %dma_start3A_86 : memref<1x50x128xi32, #tpu.memory_space<hbm>> -> memref<50x128xi32, #tpu.memory_space<hbm>>
      tpu.enqueue_dma source(%dma_start3A_87 : memref<50x128xi32, #tpu.memory_space<hbm>>) target(%dma_start3A_83 : memref<50x128xi32, #tpu.memory_space<vmem>>) target_semaphore(%run_scoped3A_71 : memref<!tpu.dma_semaphore, #tpu.memory_space<semaphore_mem>>)
      %dma_wait3A = arith.constant 0 : i32
      %dma_wait3A_88 = arith.constant 0 : i32
      %dma_wait3A_89 = tpu.memref_slice %arg10[%run_scoped3A, %dma_wait3A, %dma_wait3A_88] : memref<4x50x128xi32, #tpu.memory_space<vmem>> -> memref<1x50x128xi32, #tpu.memory_space<vmem>>
      %dma_wait3A_90 = tpu.memref_squeeze %dma_wait3A_89 : memref<1x50x128xi32, #tpu.memory_space<vmem>> -> memref<50x128xi32, #tpu.memory_space<vmem>>
      %dma_wait3A_91 = arith.constant 0 : i32
      %dma_wait3A_92 = arith.constant 0 : i32
      %dma_wait3A_93 = tpu.memref_slice %arg2[%add3A, %dma_wait3A_91, %dma_wait3A_92] : memref<32x50x128xi32, #tpu.memory_space<hbm>> -> memref<1x50x128xi32, #tpu.memory_space<hbm>>
      %dma_wait3A_94 = tpu.memref_squeeze %dma_wait3A_93 : memref<1x50x128xi32, #tpu.memory_space<hbm>> -> memref<50x128xi32, #tpu.memory_space<hbm>>
      %dma_wait3A_95 = arith.constant 0 : i32
      %dma_wait3A_96 = arith.constant 0 : i32
      %dma_wait3A_97 = tpu.memref_slice %arg10[%run_scoped3A, %dma_wait3A_95, %dma_wait3A_96] : memref<4x50x128xi32, #tpu.memory_space<vmem>> -> memref<1x50x128xi32, #tpu.memory_space<vmem>>
      %dma_wait3A_98 = tpu.memref_squeeze %dma_wait3A_97 : memref<1x50x128xi32, #tpu.memory_space<vmem>> -> memref<50x128xi32, #tpu.memory_space<vmem>>
      %dma_wait3A_99 = arith.constant 0 : i32
      %dma_wait3A_100 = arith.constant 0 : i32
      %dma_wait3A_101 = tpu.memref_slice %arg2[%add3A, %dma_wait3A_99, %dma_wait3A_100] : memref<32x50x128xi32, #tpu.memory_space<hbm>> -> memref<1x50x128xi32, #tpu.memory_space<hbm>>
      %dma_wait3A_102 = tpu.memref_squeeze %dma_wait3A_101 : memref<1x50x128xi32, #tpu.memory_space<hbm>> -> memref<50x128xi32, #tpu.memory_space<hbm>>
      tpu.wait_dma2 semaphore(%run_scoped3A_71 : memref<!tpu.dma_semaphore, #tpu.memory_space<semaphore_mem>>) src(%dma_wait3A_102 : memref<50x128xi32, #tpu.memory_space<hbm>>) dst(%dma_wait3A_98 : memref<50x128xi32, #tpu.memory_space<vmem>>)
      tpu.yield
    }) : () -> ()
    %run_scoped3A_1 = arith.constant 1 : i32
    "tpu.region"() ({
      %run_scoped3A_71 = tpu.sem_alloc : memref<!tpu.dma_semaphore, #tpu.memory_space<semaphore_mem>>
      %dma_start3A_72 = arith.constant 0 : i32
      %dma_start3A_73 = arith.constant 0 : i32
      %dma_start3A_74 = tpu.memref_slice %arg10[%run_scoped3A_1, %dma_start3A_72, %dma_start3A_73] : memref<4x50x128xi32, #tpu.memory_space<vmem>> -> memref<1x50x128xi32, #tpu.memory_space<vmem>>
      %dma_start3A_75 = tpu.memref_squeeze %dma_start3A_74 : memref<1x50x128xi32, #tpu.memory_space<vmem>> -> memref<50x128xi32, #tpu.memory_space<vmem>>
      %dma_start3A_76 = arith.constant 0 : i32
      %dma_start3A_77 = arith.constant 0 : i32
      %dma_start3A_78 = tpu.memref_slice %arg3[%add3A, %dma_start3A_76, %dma_start3A_77] : memref<32x50x128xi32, #tpu.memory_space<hbm>> -> memref<1x50x128xi32, #tpu.memory_space<hbm>>
      %dma_start3A_79 = tpu.memref_squeeze %dma_start3A_78 : memref<1x50x128xi32, #tpu.memory_space<hbm>> -> memref<50x128xi32, #tpu.memory_space<hbm>>
      %dma_start3A_80 = arith.constant 0 : i32
      %dma_start3A_81 = arith.constant 0 : i32
      %dma_start3A_82 = tpu.memref_slice %arg10[%run_scoped3A_1, %dma_start3A_80, %dma_start3A_81] : memref<4x50x128xi32, #tpu.memory_space<vmem>> -> memref<1x50x128xi32, #tpu.memory_space<vmem>>
      %dma_start3A_83 = tpu.memref_squeeze %dma_start3A_82 : memref<1x50x128xi32, #tpu.memory_space<vmem>> -> memref<50x128xi32, #tpu.memory_space<vmem>>
      %dma_start3A_84 = arith.constant 0 : i32
      %dma_start3A_85 = arith.constant 0 : i32
      %dma_start3A_86 = tpu.memref_slice %arg3[%add3A, %dma_start3A_84, %dma_start3A_85] : memref<32x50x128xi32, #tpu.memory_space<hbm>> -> memref<1x50x128xi32, #tpu.memory_space<hbm>>
      %dma_start3A_87 = tpu.memref_squeeze %dma_start3A_86 : memref<1x50x128xi32, #tpu.memory_space<hbm>> -> memref<50x128xi32, #tpu.memory_space<hbm>>
      tpu.enqueue_dma source(%dma_start3A_87 : memref<50x128xi32, #tpu.memory_space<hbm>>) target(%dma_start3A_83 : memref<50x128xi32, #tpu.memory_space<vmem>>) target_semaphore(%run_scoped3A_71 : memref<!tpu.dma_semaphore, #tpu.memory_space<semaphore_mem>>)
      %dma_wait3A = arith.constant 0 : i32
      %dma_wait3A_88 = arith.constant 0 : i32
      %dma_wait3A_89 = tpu.memref_slice %arg10[%run_scoped3A_1, %dma_wait3A, %dma_wait3A_88] : memref<4x50x128xi32, #tpu.memory_space<vmem>> -> memref<1x50x128xi32, #tpu.memory_space<vmem>>
      %dma_wait3A_90 = tpu.memref_squeeze %dma_wait3A_89 : memref<1x50x128xi32, #tpu.memory_space<vmem>> -> memref<50x128xi32, #tpu.memory_space<vmem>>
      %dma_wait3A_91 = arith.constant 0 : i32
      %dma_wait3A_92 = arith.constant 0 : i32
      %dma_wait3A_93 = tpu.memref_slice %arg3[%add3A, %dma_wait3A_91, %dma_wait3A_92] : memref<32x50x128xi32, #tpu.memory_space<hbm>> -> memref<1x50x128xi32, #tpu.memory_space<hbm>>
      %dma_wait3A_94 = tpu.memref_squeeze %dma_wait3A_93 : memref<1x50x128xi32, #tpu.memory_space<hbm>> -> memref<50x128xi32, #tpu.memory_space<hbm>>
      %dma_wait3A_95 = arith.constant 0 : i32
      %dma_wait3A_96 = arith.constant 0 : i32
      %dma_wait3A_97 = tpu.memref_slice %arg10[%run_scoped3A_1, %dma_wait3A_95, %dma_wait3A_96] : memref<4x50x128xi32, #tpu.memory_space<vmem>> -> memref<1x50x128xi32, #tpu.memory_space<vmem>>
      %dma_wait3A_98 = tpu.memref_squeeze %dma_wait3A_97 : memref<1x50x128xi32, #tpu.memory_space<vmem>> -> memref<50x128xi32, #tpu.memory_space<vmem>>
      %dma_wait3A_99 = arith.constant 0 : i32
      %dma_wait3A_100 = arith.constant 0 : i32
      %dma_wait3A_101 = tpu.memref_slice %arg3[%add3A, %dma_wait3A_99, %dma_wait3A_100] : memref<32x50x128xi32, #tpu.memory_space<hbm>> -> memref<1x50x128xi32, #tpu.memory_space<hbm>>
      %dma_wait3A_102 = tpu.memref_squeeze %dma_wait3A_101 : memref<1x50x128xi32, #tpu.memory_space<hbm>> -> memref<50x128xi32, #tpu.memory_space<hbm>>
      tpu.wait_dma2 semaphore(%run_scoped3A_71 : memref<!tpu.dma_semaphore, #tpu.memory_space<semaphore_mem>>) src(%dma_wait3A_102 : memref<50x128xi32, #tpu.memory_space<hbm>>) dst(%dma_wait3A_98 : memref<50x128xi32, #tpu.memory_space<vmem>>)
      tpu.yield
    }) : () -> ()
    %run_scoped3A_2 = arith.constant 2 : i32
    "tpu.region"() ({
      %run_scoped3A_71 = tpu.sem_alloc : memref<!tpu.dma_semaphore, #tpu.memory_space<semaphore_mem>>
      %dma_start3A_72 = arith.constant 0 : i32
      %dma_start3A_73 = arith.constant 0 : i32
      %dma_start3A_74 = tpu.memref_slice %arg10[%run_scoped3A_2, %dma_start3A_72, %dma_start3A_73] : memref<4x50x128xi32, #tpu.memory_space<vmem>> -> memref<1x50x128xi32, #tpu.memory_space<vmem>>
      %dma_start3A_75 = tpu.memref_squeeze %dma_start3A_74 : memref<1x50x128xi32, #tpu.memory_space<vmem>> -> memref<50x128xi32, #tpu.memory_space<vmem>>
      %dma_start3A_76 = arith.constant 0 : i32
      %dma_start3A_77 = arith.constant 0 : i32
      %dma_start3A_78 = tpu.memref_slice %arg4[%add3A, %dma_start3A_76, %dma_start3A_77] : memref<32x50x128xi32, #tpu.memory_space<hbm>> -> memref<1x50x128xi32, #tpu.memory_space<hbm>>
      %dma_start3A_79 = tpu.memref_squeeze %dma_start3A_78 : memref<1x50x128xi32, #tpu.memory_space<hbm>> -> memref<50x128xi32, #tpu.memory_space<hbm>>
      %dma_start3A_80 = arith.constant 0 : i32
      %dma_start3A_81 = arith.constant 0 : i32
      %dma_start3A_82 = tpu.memref_slice %arg10[%run_scoped3A_2, %dma_start3A_80, %dma_start3A_81] : memref<4x50x128xi32, #tpu.memory_space<vmem>> -> memref<1x50x128xi32, #tpu.memory_space<vmem>>
      %dma_start3A_83 = tpu.memref_squeeze %dma_start3A_82 : memref<1x50x128xi32, #tpu.memory_space<vmem>> -> memref<50x128xi32, #tpu.memory_space<vmem>>
      %dma_start3A_84 = arith.constant 0 : i32
      %dma_start3A_85 = arith.constant 0 : i32
      %dma_start3A_86 = tpu.memref_slice %arg4[%add3A, %dma_start3A_84, %dma_start3A_85] : memref<32x50x128xi32, #tpu.memory_space<hbm>> -> memref<1x50x128xi32, #tpu.memory_space<hbm>>
      %dma_start3A_87 = tpu.memref_squeeze %dma_start3A_86 : memref<1x50x128xi32, #tpu.memory_space<hbm>> -> memref<50x128xi32, #tpu.memory_space<hbm>>
      tpu.enqueue_dma source(%dma_start3A_87 : memref<50x128xi32, #tpu.memory_space<hbm>>) target(%dma_start3A_83 : memref<50x128xi32, #tpu.memory_space<vmem>>) target_semaphore(%run_scoped3A_71 : memref<!tpu.dma_semaphore, #tpu.memory_space<semaphore_mem>>)
      %dma_wait3A = arith.constant 0 : i32
      %dma_wait3A_88 = arith.constant 0 : i32
      %dma_wait3A_89 = tpu.memref_slice %arg10[%run_scoped3A_2, %dma_wait3A, %dma_wait3A_88] : memref<4x50x128xi32, #tpu.memory_space<vmem>> -> memref<1x50x128xi32, #tpu.memory_space<vmem>>
      %dma_wait3A_90 = tpu.memref_squeeze %dma_wait3A_89 : memref<1x50x128xi32, #tpu.memory_space<vmem>> -> memref<50x128xi32, #tpu.memory_space<vmem>>
      %dma_wait3A_91 = arith.constant 0 : i32
      %dma_wait3A_92 = arith.constant 0 : i32
      %dma_wait3A_93 = tpu.memref_slice %arg4[%add3A, %dma_wait3A_91, %dma_wait3A_92] : memref<32x50x128xi32, #tpu.memory_space<hbm>> -> memref<1x50x128xi32, #tpu.memory_space<hbm>>
      %dma_wait3A_94 = tpu.memref_squeeze %dma_wait3A_93 : memref<1x50x128xi32, #tpu.memory_space<hbm>> -> memref<50x128xi32, #tpu.memory_space<hbm>>
      %dma_wait3A_95 = arith.constant 0 : i32
      %dma_wait3A_96 = arith.constant 0 : i32
      %dma_wait3A_97 = tpu.memref_slice %arg10[%run_scoped3A_2, %dma_wait3A_95, %dma_wait3A_96] : memref<4x50x128xi32, #tpu.memory_space<vmem>> -> memref<1x50x128xi32, #tpu.memory_space<vmem>>
      %dma_wait3A_98 = tpu.memref_squeeze %dma_wait3A_97 : memref<1x50x128xi32, #tpu.memory_space<vmem>> -> memref<50x128xi32, #tpu.memory_space<vmem>>
      %dma_wait3A_99 = arith.constant 0 : i32
      %dma_wait3A_100 = arith.constant 0 : i32
      %dma_wait3A_101 = tpu.memref_slice %arg4[%add3A, %dma_wait3A_99, %dma_wait3A_100] : memref<32x50x128xi32, #tpu.memory_space<hbm>> -> memref<1x50x128xi32, #tpu.memory_space<hbm>>
      %dma_wait3A_102 = tpu.memref_squeeze %dma_wait3A_101 : memref<1x50x128xi32, #tpu.memory_space<hbm>> -> memref<50x128xi32, #tpu.memory_space<hbm>>
      tpu.wait_dma2 semaphore(%run_scoped3A_71 : memref<!tpu.dma_semaphore, #tpu.memory_space<semaphore_mem>>) src(%dma_wait3A_102 : memref<50x128xi32, #tpu.memory_space<hbm>>) dst(%dma_wait3A_98 : memref<50x128xi32, #tpu.memory_space<vmem>>)
      tpu.yield
    }) : () -> ()
    %run_scoped3A_3 = arith.constant 3 : i32
    "tpu.region"() ({
      %run_scoped3A_71 = tpu.sem_alloc : memref<!tpu.dma_semaphore, #tpu.memory_space<semaphore_mem>>
      %dma_start3A_72 = arith.constant 0 : i32
      %dma_start3A_73 = arith.constant 0 : i32
      %dma_start3A_74 = tpu.memref_slice %arg10[%run_scoped3A_3, %dma_start3A_72, %dma_start3A_73] : memref<4x50x128xi32, #tpu.memory_space<vmem>> -> memref<1x50x128xi32, #tpu.memory_space<vmem>>
      %dma_start3A_75 = tpu.memref_squeeze %dma_start3A_74 : memref<1x50x128xi32, #tpu.memory_space<vmem>> -> memref<50x128xi32, #tpu.memory_space<vmem>>
      %dma_start3A_76 = arith.constant 0 : i32
      %dma_start3A_77 = arith.constant 0 : i32
      %dma_start3A_78 = tpu.memref_slice %arg5[%add3A, %dma_start3A_76, %dma_start3A_77] : memref<32x50x128xi32, #tpu.memory_space<hbm>> -> memref<1x50x128xi32, #tpu.memory_space<hbm>>
      %dma_start3A_79 = tpu.memref_squeeze %dma_start3A_78 : memref<1x50x128xi32, #tpu.memory_space<hbm>> -> memref<50x128xi32, #tpu.memory_space<hbm>>
      %dma_start3A_80 = arith.constant 0 : i32
      %dma_start3A_81 = arith.constant 0 : i32
      %dma_start3A_82 = tpu.memref_slice %arg10[%run_scoped3A_3, %dma_start3A_80, %dma_start3A_81] : memref<4x50x128xi32, #tpu.memory_space<vmem>> -> memref<1x50x128xi32, #tpu.memory_space<vmem>>
      %dma_start3A_83 = tpu.memref_squeeze %dma_start3A_82 : memref<1x50x128xi32, #tpu.memory_space<vmem>> -> memref<50x128xi32, #tpu.memory_space<vmem>>
      %dma_start3A_84 = arith.constant 0 : i32
      %dma_start3A_85 = arith.constant 0 : i32
      %dma_start3A_86 = tpu.memref_slice %arg5[%add3A, %dma_start3A_84, %dma_start3A_85] : memref<32x50x128xi32, #tpu.memory_space<hbm>> -> memref<1x50x128xi32, #tpu.memory_space<hbm>>
      %dma_start3A_87 = tpu.memref_squeeze %dma_start3A_86 : memref<1x50x128xi32, #tpu.memory_space<hbm>> -> memref<50x128xi32, #tpu.memory_space<hbm>>
      tpu.enqueue_dma source(%dma_start3A_87 : memref<50x128xi32, #tpu.memory_space<hbm>>) target(%dma_start3A_83 : memref<50x128xi32, #tpu.memory_space<vmem>>) target_semaphore(%run_scoped3A_71 : memref<!tpu.dma_semaphore, #tpu.memory_space<semaphore_mem>>)
      %dma_wait3A = arith.constant 0 : i32
      %dma_wait3A_88 = arith.constant 0 : i32
      %dma_wait3A_89 = tpu.memref_slice %arg10[%run_scoped3A_3, %dma_wait3A, %dma_wait3A_88] : memref<4x50x128xi32, #tpu.memory_space<vmem>> -> memref<1x50x128xi32, #tpu.memory_space<vmem>>
      %dma_wait3A_90 = tpu.memref_squeeze %dma_wait3A_89 : memref<1x50x128xi32, #tpu.memory_space<vmem>> -> memref<50x128xi32, #tpu.memory_space<vmem>>
      %dma_wait3A_91 = arith.constant 0 : i32
      %dma_wait3A_92 = arith.constant 0 : i32
      %dma_wait3A_93 = tpu.memref_slice %arg5[%add3A, %dma_wait3A_91, %dma_wait3A_92] : memref<32x50x128xi32, #tpu.memory_space<hbm>> -> memref<1x50x128xi32, #tpu.memory_space<hbm>>
      %dma_wait3A_94 = tpu.memref_squeeze %dma_wait3A_93 : memref<1x50x128xi32, #tpu.memory_space<hbm>> -> memref<50x128xi32, #tpu.memory_space<hbm>>
      %dma_wait3A_95 = arith.constant 0 : i32
      %dma_wait3A_96 = arith.constant 0 : i32
      %dma_wait3A_97 = tpu.memref_slice %arg10[%run_scoped3A_3, %dma_wait3A_95, %dma_wait3A_96] : memref<4x50x128xi32, #tpu.memory_space<vmem>> -> memref<1x50x128xi32, #tpu.memory_space<vmem>>
      %dma_wait3A_98 = tpu.memref_squeeze %dma_wait3A_97 : memref<1x50x128xi32, #tpu.memory_space<vmem>> -> memref<50x128xi32, #tpu.memory_space<vmem>>
      %dma_wait3A_99 = arith.constant 0 : i32
      %dma_wait3A_100 = arith.constant 0 : i32
      %dma_wait3A_101 = tpu.memref_slice %arg5[%add3A, %dma_wait3A_99, %dma_wait3A_100] : memref<32x50x128xi32, #tpu.memory_space<hbm>> -> memref<1x50x128xi32, #tpu.memory_space<hbm>>
      %dma_wait3A_102 = tpu.memref_squeeze %dma_wait3A_101 : memref<1x50x128xi32, #tpu.memory_space<hbm>> -> memref<50x128xi32, #tpu.memory_space<hbm>>
      tpu.wait_dma2 semaphore(%run_scoped3A_71 : memref<!tpu.dma_semaphore, #tpu.memory_space<semaphore_mem>>) src(%dma_wait3A_102 : memref<50x128xi32, #tpu.memory_space<hbm>>) dst(%dma_wait3A_98 : memref<50x128xi32, #tpu.memory_space<vmem>>)
      tpu.yield
    }) : () -> ()
    %dma_start3A = arith.constant 0 : i32
    %dma_start3A_4 = arith.constant 0 : i32
    %dma_start3A_5 = arith.constant 0 : i32
    %dma_start3A_6 = tpu.memref_slice %arg10[%dma_start3A, %dma_start3A_4, %dma_start3A_5] : memref<4x50x128xi32, #tpu.memory_space<vmem>> -> memref<1x1x128xi32, #tpu.memory_space<vmem>>
    %dma_start3A_7 = tpu.memref_squeeze %dma_start3A_6 : memref<1x1x128xi32, #tpu.memory_space<vmem>> -> memref<128xi32, #tpu.memory_space<vmem>>
    %dma_start3A_8 = arith.constant 0 : i32
    %dma_start3A_9 = arith.constant 0 : i32
    %dma_start3A_10 = tpu.memref_slice %arg6[%dma_start3A_8, %dma_start3A_9] : memref<100000x128xf32, #tpu.memory_space<hbm>> -> memref<100000x128xf32, #tpu.memory_space<hbm>>
    tpu.enqueue_indirect_dma source(%dma_start3A_10 : memref<100000x128xf32, #tpu.memory_space<hbm>>) target(%arg11 : memref<128x128xf32, #tpu.memory_space<vmem>>) offsets(%dma_start3A_7 : memref<128xi32, #tpu.memory_space<vmem>>) semaphore(%arg15 : memref<!tpu.dma_semaphore, #tpu.memory_space<semaphore_mem>>)
    %dma_start3A_11 = arith.constant 1 : i32
    %dma_start3A_12 = arith.constant 0 : i32
    %dma_start3A_13 = arith.constant 0 : i32
    %dma_start3A_14 = tpu.memref_slice %arg10[%dma_start3A_11, %dma_start3A_12, %dma_start3A_13] : memref<4x50x128xi32, #tpu.memory_space<vmem>> -> memref<1x1x128xi32, #tpu.memory_space<vmem>>
    %dma_start3A_15 = tpu.memref_squeeze %dma_start3A_14 : memref<1x1x128xi32, #tpu.memory_space<vmem>> -> memref<128xi32, #tpu.memory_space<vmem>>
    %dma_start3A_16 = arith.constant 0 : i32
    %dma_start3A_17 = arith.constant 0 : i32
    %dma_start3A_18 = tpu.memref_slice %arg7[%dma_start3A_16, %dma_start3A_17] : memref<50x32xf32, #tpu.memory_space<hbm>> -> memref<50x32xf32, #tpu.memory_space<hbm>>
    tpu.enqueue_indirect_dma source(%dma_start3A_18 : memref<50x32xf32, #tpu.memory_space<hbm>>) target(%arg12 : memref<128x32xf32, #tpu.memory_space<vmem>>) offsets(%dma_start3A_15 : memref<128xi32, #tpu.memory_space<vmem>>) semaphore(%arg15 : memref<!tpu.dma_semaphore, #tpu.memory_space<semaphore_mem>>)
    %dma_start3A_19 = arith.constant 2 : i32
    %dma_start3A_20 = arith.constant 0 : i32
    %dma_start3A_21 = arith.constant 0 : i32
    %dma_start3A_22 = tpu.memref_slice %arg10[%dma_start3A_19, %dma_start3A_20, %dma_start3A_21] : memref<4x50x128xi32, #tpu.memory_space<vmem>> -> memref<1x1x128xi32, #tpu.memory_space<vmem>>
    %dma_start3A_23 = tpu.memref_squeeze %dma_start3A_22 : memref<1x1x128xi32, #tpu.memory_space<vmem>> -> memref<128xi32, #tpu.memory_space<vmem>>
    %dma_start3A_24 = arith.constant 0 : i32
    %dma_start3A_25 = arith.constant 0 : i32
    %dma_start3A_26 = tpu.memref_slice %arg8[%dma_start3A_24, %dma_start3A_25] : memref<512x32xf32, #tpu.memory_space<hbm>> -> memref<512x32xf32, #tpu.memory_space<hbm>>
    tpu.enqueue_indirect_dma source(%dma_start3A_26 : memref<512x32xf32, #tpu.memory_space<hbm>>) target(%arg13 : memref<128x32xf32, #tpu.memory_space<vmem>>) offsets(%dma_start3A_23 : memref<128xi32, #tpu.memory_space<vmem>>) semaphore(%arg15 : memref<!tpu.dma_semaphore, #tpu.memory_space<semaphore_mem>>)
    %dma_start3A_27 = arith.constant 3 : i32
    %dma_start3A_28 = arith.constant 0 : i32
    %dma_start3A_29 = arith.constant 0 : i32
    %dma_start3A_30 = tpu.memref_slice %arg10[%dma_start3A_27, %dma_start3A_28, %dma_start3A_29] : memref<4x50x128xi32, #tpu.memory_space<vmem>> -> memref<1x1x128xi32, #tpu.memory_space<vmem>>
    %dma_start3A_31 = tpu.memref_squeeze %dma_start3A_30 : memref<1x1x128xi32, #tpu.memory_space<vmem>> -> memref<128xi32, #tpu.memory_space<vmem>>
    %dma_start3A_32 = arith.constant 0 : i32
    %dma_start3A_33 = arith.constant 0 : i32
    %dma_start3A_34 = tpu.memref_slice %arg8[%dma_start3A_32, %dma_start3A_33] : memref<512x32xf32, #tpu.memory_space<hbm>> -> memref<512x32xf32, #tpu.memory_space<hbm>>
    tpu.enqueue_indirect_dma source(%dma_start3A_34 : memref<512x32xf32, #tpu.memory_space<hbm>>) target(%arg14 : memref<128x32xf32, #tpu.memory_space<vmem>>) offsets(%dma_start3A_31 : memref<128xi32, #tpu.memory_space<vmem>>) semaphore(%arg15 : memref<!tpu.dma_semaphore, #tpu.memory_space<semaphore_mem>>)
    %dma_start3A_35 = arith.constant 0 : i32
    %dma_start3A_36 = arith.constant 1 : i32
    %dma_start3A_37 = arith.constant 0 : i32
    %dma_start3A_38 = tpu.memref_slice %arg10[%dma_start3A_35, %dma_start3A_36, %dma_start3A_37] : memref<4x50x128xi32, #tpu.memory_space<vmem>> -> memref<1x1x128xi32, #tpu.memory_space<vmem>>
    %dma_start3A_39 = tpu.memref_squeeze %dma_start3A_38 : memref<1x1x128xi32, #tpu.memory_space<vmem>> -> memref<128xi32, #tpu.memory_space<vmem>>
    %dma_start3A_40 = arith.constant 0 : i32
    %dma_start3A_41 = arith.constant 0 : i32
    %dma_start3A_42 = tpu.memref_slice %arg6[%dma_start3A_40, %dma_start3A_41] : memref<100000x128xf32, #tpu.memory_space<hbm>> -> memref<100000x128xf32, #tpu.memory_space<hbm>>
    tpu.enqueue_indirect_dma source(%dma_start3A_42 : memref<100000x128xf32, #tpu.memory_space<hbm>>) target(%arg17 : memref<128x128xf32, #tpu.memory_space<vmem>>) offsets(%dma_start3A_39 : memref<128xi32, #tpu.memory_space<vmem>>) semaphore(%arg21 : memref<!tpu.dma_semaphore, #tpu.memory_space<semaphore_mem>>)
    %dma_start3A_43 = arith.constant 1 : i32
    %dma_start3A_44 = arith.constant 1 : i32
    %dma_start3A_45 = arith.constant 0 : i32
    %dma_start3A_46 = tpu.memref_slice %arg10[%dma_start3A_43, %dma_start3A_44, %dma_start3A_45] : memref<4x50x128xi32, #tpu.memory_space<vmem>> -> memref<1x1x128xi32, #tpu.memory_space<vmem>>
    %dma_start3A_47 = tpu.memref_squeeze %dma_start3A_46 : memref<1x1x128xi32, #tpu.memory_space<vmem>> -> memref<128xi32, #tpu.memory_space<vmem>>
    %dma_start3A_48 = arith.constant 0 : i32
    %dma_start3A_49 = arith.constant 0 : i32
    %dma_start3A_50 = tpu.memref_slice %arg7[%dma_start3A_48, %dma_start3A_49] : memref<50x32xf32, #tpu.memory_space<hbm>> -> memref<50x32xf32, #tpu.memory_space<hbm>>
    tpu.enqueue_indirect_dma source(%dma_start3A_50 : memref<50x32xf32, #tpu.memory_space<hbm>>) target(%arg18 : memref<128x32xf32, #tpu.memory_space<vmem>>) offsets(%dma_start3A_47 : memref<128xi32, #tpu.memory_space<vmem>>) semaphore(%arg21 : memref<!tpu.dma_semaphore, #tpu.memory_space<semaphore_mem>>)
    %dma_start3A_51 = arith.constant 2 : i32
    %dma_start3A_52 = arith.constant 1 : i32
    %dma_start3A_53 = arith.constant 0 : i32
    %dma_start3A_54 = tpu.memref_slice %arg10[%dma_start3A_51, %dma_start3A_52, %dma_start3A_53] : memref<4x50x128xi32, #tpu.memory_space<vmem>> -> memref<1x1x128xi32, #tpu.memory_space<vmem>>
    %dma_start3A_55 = tpu.memref_squeeze %dma_start3A_54 : memref<1x1x128xi32, #tpu.memory_space<vmem>> -> memref<128xi32, #tpu.memory_space<vmem>>
    %dma_start3A_56 = arith.constant 0 : i32
    %dma_start3A_57 = arith.constant 0 : i32
    %dma_start3A_58 = tpu.memref_slice %arg8[%dma_start3A_56, %dma_start3A_57] : memref<512x32xf32, #tpu.memory_space<hbm>> -> memref<512x32xf32, #tpu.memory_space<hbm>>
    tpu.enqueue_indirect_dma source(%dma_start3A_58 : memref<512x32xf32, #tpu.memory_space<hbm>>) target(%arg19 : memref<128x32xf32, #tpu.memory_space<vmem>>) offsets(%dma_start3A_55 : memref<128xi32, #tpu.memory_space<vmem>>) semaphore(%arg21 : memref<!tpu.dma_semaphore, #tpu.memory_space<semaphore_mem>>)
    %dma_start3A_59 = arith.constant 3 : i32
    %dma_start3A_60 = arith.constant 1 : i32
    %dma_start3A_61 = arith.constant 0 : i32
    %dma_start3A_62 = tpu.memref_slice %arg10[%dma_start3A_59, %dma_start3A_60, %dma_start3A_61] : memref<4x50x128xi32, #tpu.memory_space<vmem>> -> memref<1x1x128xi32, #tpu.memory_space<vmem>>
    %dma_start3A_63 = tpu.memref_squeeze %dma_start3A_62 : memref<1x1x128xi32, #tpu.memory_space<vmem>> -> memref<128xi32, #tpu.memory_space<vmem>>
    %dma_start3A_64 = arith.constant 0 : i32
    %dma_start3A_65 = arith.constant 0 : i32
    %dma_start3A_66 = tpu.memref_slice %arg8[%dma_start3A_64, %dma_start3A_65] : memref<512x32xf32, #tpu.memory_space<hbm>> -> memref<512x32xf32, #tpu.memory_space<hbm>>
    tpu.enqueue_indirect_dma source(%dma_start3A_66 : memref<512x32xf32, #tpu.memory_space<hbm>>) target(%arg20 : memref<128x32xf32, #tpu.memory_space<vmem>>) offsets(%dma_start3A_63 : memref<128xi32, #tpu.memory_space<vmem>>) semaphore(%arg21 : memref<!tpu.dma_semaphore, #tpu.memory_space<semaphore_mem>>)
    %scan3A = arith.constant 0 : i32
    %scan3A_67 = arith.constant 25 : i32
    %scan3A_68 = arith.addi %scan3A, %scan3A_67 : i32
    %scan3A_69 = arith.constant 1 : i32
    scf.for %scan3A_71 = %scan3A to %scan3A_68 step %scan3A_69  : i32 {
      %mul3A_72 = arith.constant 1 : i32
      %mul3A_73 = arith.muli %scan3A_71, %mul3A_72 : i32
      %add3A_74 = arith.constant 0 : i32
      %add3A_75 = arith.addi %add3A_74, %mul3A_73 : i32
      %mul3A_76 = arith.constant 2 : i32
      %mul3A_77 = arith.muli %add3A_75, %mul3A_76 : i32
      %add3A_78 = arith.constant 0 : i32
      %add3A_79 = arith.addi %mul3A_77, %add3A_78 : i32
      %dma_wait3A = arith.constant 0 : i32
      %dma_wait3A_80 = arith.constant 0 : i32
      %dma_wait3A_81 = tpu.memref_slice %arg10[%dma_wait3A, %add3A_79, %dma_wait3A_80] : memref<4x50x128xi32, #tpu.memory_space<vmem>> -> memref<1x1x128xi32, #tpu.memory_space<vmem>>
      %dma_wait3A_82 = tpu.memref_squeeze %dma_wait3A_81 : memref<1x1x128xi32, #tpu.memory_space<vmem>> -> memref<128xi32, #tpu.memory_space<vmem>>
      %dma_wait3A_83 = arith.constant 0 : i32
      %dma_wait3A_84 = arith.constant 0 : i32
      %dma_wait3A_85 = tpu.memref_slice %arg6[%dma_wait3A_83, %dma_wait3A_84] : memref<100000x128xf32, #tpu.memory_space<hbm>> -> memref<100000x128xf32, #tpu.memory_space<hbm>>
      tpu.wait_indirect_dma semaphore(%arg15 : memref<!tpu.dma_semaphore, #tpu.memory_space<semaphore_mem>>) src(%dma_wait3A_85 : memref<100000x128xf32, #tpu.memory_space<hbm>>) dst(%arg11 : memref<128x128xf32, #tpu.memory_space<vmem>>)
      %dma_wait3A_86 = arith.constant 1 : i32
      %dma_wait3A_87 = arith.constant 0 : i32
      %dma_wait3A_88 = tpu.memref_slice %arg10[%dma_wait3A_86, %add3A_79, %dma_wait3A_87] : memref<4x50x128xi32, #tpu.memory_space<vmem>> -> memref<1x1x128xi32, #tpu.memory_space<vmem>>
      %dma_wait3A_89 = tpu.memref_squeeze %dma_wait3A_88 : memref<1x1x128xi32, #tpu.memory_space<vmem>> -> memref<128xi32, #tpu.memory_space<vmem>>
      %dma_wait3A_90 = arith.constant 0 : i32
      %dma_wait3A_91 = arith.constant 0 : i32
      %dma_wait3A_92 = tpu.memref_slice %arg7[%dma_wait3A_90, %dma_wait3A_91] : memref<50x32xf32, #tpu.memory_space<hbm>> -> memref<50x32xf32, #tpu.memory_space<hbm>>
      tpu.wait_indirect_dma semaphore(%arg15 : memref<!tpu.dma_semaphore, #tpu.memory_space<semaphore_mem>>) src(%dma_wait3A_92 : memref<50x32xf32, #tpu.memory_space<hbm>>) dst(%arg12 : memref<128x32xf32, #tpu.memory_space<vmem>>)
      %dma_wait3A_93 = arith.constant 2 : i32
      %dma_wait3A_94 = arith.constant 0 : i32
      %dma_wait3A_95 = tpu.memref_slice %arg10[%dma_wait3A_93, %add3A_79, %dma_wait3A_94] : memref<4x50x128xi32, #tpu.memory_space<vmem>> -> memref<1x1x128xi32, #tpu.memory_space<vmem>>
      %dma_wait3A_96 = tpu.memref_squeeze %dma_wait3A_95 : memref<1x1x128xi32, #tpu.memory_space<vmem>> -> memref<128xi32, #tpu.memory_space<vmem>>
      %dma_wait3A_97 = arith.constant 0 : i32
      %dma_wait3A_98 = arith.constant 0 : i32
      %dma_wait3A_99 = tpu.memref_slice %arg8[%dma_wait3A_97, %dma_wait3A_98] : memref<512x32xf32, #tpu.memory_space<hbm>> -> memref<512x32xf32, #tpu.memory_space<hbm>>
      tpu.wait_indirect_dma semaphore(%arg15 : memref<!tpu.dma_semaphore, #tpu.memory_space<semaphore_mem>>) src(%dma_wait3A_99 : memref<512x32xf32, #tpu.memory_space<hbm>>) dst(%arg13 : memref<128x32xf32, #tpu.memory_space<vmem>>)
      %dma_wait3A_100 = arith.constant 3 : i32
      %dma_wait3A_101 = arith.constant 0 : i32
      %dma_wait3A_102 = tpu.memref_slice %arg10[%dma_wait3A_100, %add3A_79, %dma_wait3A_101] : memref<4x50x128xi32, #tpu.memory_space<vmem>> -> memref<1x1x128xi32, #tpu.memory_space<vmem>>
      %dma_wait3A_103 = tpu.memref_squeeze %dma_wait3A_102 : memref<1x1x128xi32, #tpu.memory_space<vmem>> -> memref<128xi32, #tpu.memory_space<vmem>>
      %dma_wait3A_104 = arith.constant 0 : i32
      %dma_wait3A_105 = arith.constant 0 : i32
      %dma_wait3A_106 = tpu.memref_slice %arg8[%dma_wait3A_104, %dma_wait3A_105] : memref<512x32xf32, #tpu.memory_space<hbm>> -> memref<512x32xf32, #tpu.memory_space<hbm>>
      tpu.wait_indirect_dma semaphore(%arg15 : memref<!tpu.dma_semaphore, #tpu.memory_space<semaphore_mem>>) src(%dma_wait3A_106 : memref<512x32xf32, #tpu.memory_space<hbm>>) dst(%arg14 : memref<128x32xf32, #tpu.memory_space<vmem>>)
      %mul3A_107 = arith.constant 6400 : i32
      %mul3A_108 = arith.muli %add3A, %mul3A_107 : i32
      %mul3A_109 = arith.constant 128 : i32
      %mul3A_110 = arith.muli %add3A_79, %mul3A_109 : i32
      %add3A_111 = arith.addi %mul3A_108, %mul3A_110 : i32
      %dma_start3A_112 = arith.constant 0 : i32
      %dma_start3A_113 = tpu.memref_slice %arg9[%add3A_111, %dma_start3A_112] : memref<204800x224xf32, #tpu.memory_space<hbm>> -> memref<128x128xf32, #tpu.memory_space<hbm>>
      %dma_start3A_114 = arith.constant 0 : i32
      %dma_start3A_115 = tpu.memref_slice %arg9[%add3A_111, %dma_start3A_114] : memref<204800x224xf32, #tpu.memory_space<hbm>> -> memref<128x128xf32, #tpu.memory_space<hbm>>
      tpu.enqueue_dma source(%arg11 : memref<128x128xf32, #tpu.memory_space<vmem>>) target(%dma_start3A_115 : memref<128x128xf32, #tpu.memory_space<hbm>>) target_semaphore(%arg16 : memref<!tpu.dma_semaphore, #tpu.memory_space<semaphore_mem>>)
      %dma_start3A_116 = arith.constant 128 : i32
      %dma_start3A_117 = tpu.memref_slice %arg9[%add3A_111, %dma_start3A_116] : memref<204800x224xf32, #tpu.memory_space<hbm>> -> memref<128x32xf32, #tpu.memory_space<hbm>>
      %dma_start3A_118 = arith.constant 128 : i32
      %dma_start3A_119 = tpu.memref_slice %arg9[%add3A_111, %dma_start3A_118] : memref<204800x224xf32, #tpu.memory_space<hbm>> -> memref<128x32xf32, #tpu.memory_space<hbm>>
      tpu.enqueue_dma source(%arg12 : memref<128x32xf32, #tpu.memory_space<vmem>>) target(%dma_start3A_119 : memref<128x32xf32, #tpu.memory_space<hbm>>) target_semaphore(%arg16 : memref<!tpu.dma_semaphore, #tpu.memory_space<semaphore_mem>>)
      %dma_start3A_120 = arith.constant 160 : i32
      %dma_start3A_121 = tpu.memref_slice %arg9[%add3A_111, %dma_start3A_120] : memref<204800x224xf32, #tpu.memory_space<hbm>> -> memref<128x32xf32, #tpu.memory_space<hbm>>
      %dma_start3A_122 = arith.constant 160 : i32
      %dma_start3A_123 = tpu.memref_slice %arg9[%add3A_111, %dma_start3A_122] : memref<204800x224xf32, #tpu.memory_space<hbm>> -> memref<128x32xf32, #tpu.memory_space<hbm>>
      tpu.enqueue_dma source(%arg13 : memref<128x32xf32, #tpu.memory_space<vmem>>) target(%dma_start3A_123 : memref<128x32xf32, #tpu.memory_space<hbm>>) target_semaphore(%arg16 : memref<!tpu.dma_semaphore, #tpu.memory_space<semaphore_mem>>)
      %dma_start3A_124 = arith.constant 192 : i32
      %dma_start3A_125 = tpu.memref_slice %arg9[%add3A_111, %dma_start3A_124] : memref<204800x224xf32, #tpu.memory_space<hbm>> -> memref<128x32xf32, #tpu.memory_space<hbm>>
      %dma_start3A_126 = arith.constant 192 : i32
      %dma_start3A_127 = tpu.memref_slice %arg9[%add3A_111, %dma_start3A_126] : memref<204800x224xf32, #tpu.memory_space<hbm>> -> memref<128x32xf32, #tpu.memory_space<hbm>>
      tpu.enqueue_dma source(%arg14 : memref<128x32xf32, #tpu.memory_space<vmem>>) target(%dma_start3A_127 : memref<128x32xf32, #tpu.memory_space<hbm>>) target_semaphore(%arg16 : memref<!tpu.dma_semaphore, #tpu.memory_space<semaphore_mem>>)
      %add3A_128 = arith.constant 2 : i32
      %add3A_129 = arith.addi %add3A_79, %add3A_128 : i32
      %lt3A = arith.constant 50 : i32
      %lt3A_130 = arith.cmpi slt, %add3A_129, %lt3A : i32
      %convert_element_type3A = arith.extui %lt3A_130 : i1 to i32
      %cond3A = arith.constant 0 : i32
      %cond3A_131 = arith.cmpi ne, %convert_element_type3A, %cond3A : i32
      scf.if %cond3A_131 {
        %mul3A_205 = arith.constant 6400 : i32
        %mul3A_206 = arith.muli %add3A, %mul3A_205 : i32
        %mul3A_207 = arith.constant 128 : i32
        %mul3A_208 = arith.muli %add3A_79, %mul3A_207 : i32
        %add3A_209 = arith.addi %mul3A_206, %mul3A_208 : i32
        %dma_wait3A_210 = arith.constant 0 : i32
        %dma_wait3A_211 = tpu.memref_slice %arg9[%add3A_209, %dma_wait3A_210] : memref<204800x224xf32, #tpu.memory_space<hbm>> -> memref<128x128xf32, #tpu.memory_space<hbm>>
        %dma_wait3A_212 = arith.constant 0 : i32
        %dma_wait3A_213 = tpu.memref_slice %arg9[%add3A_209, %dma_wait3A_212] : memref<204800x224xf32, #tpu.memory_space<hbm>> -> memref<128x128xf32, #tpu.memory_space<hbm>>
        tpu.wait_dma2 semaphore(%arg16 : memref<!tpu.dma_semaphore, #tpu.memory_space<semaphore_mem>>) src(%arg11 : memref<128x128xf32, #tpu.memory_space<vmem>>) dst(%dma_wait3A_213 : memref<128x128xf32, #tpu.memory_space<hbm>>)
        %dma_wait3A_214 = arith.constant 128 : i32
        %dma_wait3A_215 = tpu.memref_slice %arg9[%add3A_209, %dma_wait3A_214] : memref<204800x224xf32, #tpu.memory_space<hbm>> -> memref<128x32xf32, #tpu.memory_space<hbm>>
        %dma_wait3A_216 = arith.constant 128 : i32
        %dma_wait3A_217 = tpu.memref_slice %arg9[%add3A_209, %dma_wait3A_216] : memref<204800x224xf32, #tpu.memory_space<hbm>> -> memref<128x32xf32, #tpu.memory_space<hbm>>
        tpu.wait_dma2 semaphore(%arg16 : memref<!tpu.dma_semaphore, #tpu.memory_space<semaphore_mem>>) src(%arg12 : memref<128x32xf32, #tpu.memory_space<vmem>>) dst(%dma_wait3A_217 : memref<128x32xf32, #tpu.memory_space<hbm>>)
        %dma_wait3A_218 = arith.constant 160 : i32
        %dma_wait3A_219 = tpu.memref_slice %arg9[%add3A_209, %dma_wait3A_218] : memref<204800x224xf32, #tpu.memory_space<hbm>> -> memref<128x32xf32, #tpu.memory_space<hbm>>
        %dma_wait3A_220 = arith.constant 160 : i32
        %dma_wait3A_221 = tpu.memref_slice %arg9[%add3A_209, %dma_wait3A_220] : memref<204800x224xf32, #tpu.memory_space<hbm>> -> memref<128x32xf32, #tpu.memory_space<hbm>>
        tpu.wait_dma2 semaphore(%arg16 : memref<!tpu.dma_semaphore, #tpu.memory_space<semaphore_mem>>) src(%arg13 : memref<128x32xf32, #tpu.memory_space<vmem>>) dst(%dma_wait3A_221 : memref<128x32xf32, #tpu.memory_space<hbm>>)
        %dma_wait3A_222 = arith.constant 192 : i32
        %dma_wait3A_223 = tpu.memref_slice %arg9[%add3A_209, %dma_wait3A_222] : memref<204800x224xf32, #tpu.memory_space<hbm>> -> memref<128x32xf32, #tpu.memory_space<hbm>>
        %dma_wait3A_224 = arith.constant 192 : i32
        %dma_wait3A_225 = tpu.memref_slice %arg9[%add3A_209, %dma_wait3A_224] : memref<204800x224xf32, #tpu.memory_space<hbm>> -> memref<128x32xf32, #tpu.memory_space<hbm>>
        tpu.wait_dma2 semaphore(%arg16 : memref<!tpu.dma_semaphore, #tpu.memory_space<semaphore_mem>>) src(%arg14 : memref<128x32xf32, #tpu.memory_space<vmem>>) dst(%dma_wait3A_225 : memref<128x32xf32, #tpu.memory_space<hbm>>)
        %add3A_226 = arith.constant 2 : i32
        %add3A_227 = arith.addi %add3A_79, %add3A_226 : i32
        %dma_start3A_228 = arith.constant 0 : i32
        %dma_start3A_229 = arith.constant 0 : i32
        %dma_start3A_230 = tpu.memref_slice %arg10[%dma_start3A_228, %add3A_227, %dma_start3A_229] : memref<4x50x128xi32, #tpu.memory_space<vmem>> -> memref<1x1x128xi32, #tpu.memory_space<vmem>>
        %dma_start3A_231 = tpu.memref_squeeze %dma_start3A_230 : memref<1x1x128xi32, #tpu.memory_space<vmem>> -> memref<128xi32, #tpu.memory_space<vmem>>
        %dma_start3A_232 = arith.constant 0 : i32
        %dma_start3A_233 = arith.constant 0 : i32
        %dma_start3A_234 = tpu.memref_slice %arg6[%dma_start3A_232, %dma_start3A_233] : memref<100000x128xf32, #tpu.memory_space<hbm>> -> memref<100000x128xf32, #tpu.memory_space<hbm>>
        tpu.enqueue_indirect_dma source(%dma_start3A_234 : memref<100000x128xf32, #tpu.memory_space<hbm>>) target(%arg11 : memref<128x128xf32, #tpu.memory_space<vmem>>) offsets(%dma_start3A_231 : memref<128xi32, #tpu.memory_space<vmem>>) semaphore(%arg15 : memref<!tpu.dma_semaphore, #tpu.memory_space<semaphore_mem>>)
        %dma_start3A_235 = arith.constant 1 : i32
        %dma_start3A_236 = arith.constant 0 : i32
        %dma_start3A_237 = tpu.memref_slice %arg10[%dma_start3A_235, %add3A_227, %dma_start3A_236] : memref<4x50x128xi32, #tpu.memory_space<vmem>> -> memref<1x1x128xi32, #tpu.memory_space<vmem>>
        %dma_start3A_238 = tpu.memref_squeeze %dma_start3A_237 : memref<1x1x128xi32, #tpu.memory_space<vmem>> -> memref<128xi32, #tpu.memory_space<vmem>>
        %dma_start3A_239 = arith.constant 0 : i32
        %dma_start3A_240 = arith.constant 0 : i32
        %dma_start3A_241 = tpu.memref_slice %arg7[%dma_start3A_239, %dma_start3A_240] : memref<50x32xf32, #tpu.memory_space<hbm>> -> memref<50x32xf32, #tpu.memory_space<hbm>>
        tpu.enqueue_indirect_dma source(%dma_start3A_241 : memref<50x32xf32, #tpu.memory_space<hbm>>) target(%arg12 : memref<128x32xf32, #tpu.memory_space<vmem>>) offsets(%dma_start3A_238 : memref<128xi32, #tpu.memory_space<vmem>>) semaphore(%arg15 : memref<!tpu.dma_semaphore, #tpu.memory_space<semaphore_mem>>)
        %dma_start3A_242 = arith.constant 2 : i32
        %dma_start3A_243 = arith.constant 0 : i32
        %dma_start3A_244 = tpu.memref_slice %arg10[%dma_start3A_242, %add3A_227, %dma_start3A_243] : memref<4x50x128xi32, #tpu.memory_space<vmem>> -> memref<1x1x128xi32, #tpu.memory_space<vmem>>
        %dma_start3A_245 = tpu.memref_squeeze %dma_start3A_244 : memref<1x1x128xi32, #tpu.memory_space<vmem>> -> memref<128xi32, #tpu.memory_space<vmem>>
        %dma_start3A_246 = arith.constant 0 : i32
        %dma_start3A_247 = arith.constant 0 : i32
        %dma_start3A_248 = tpu.memref_slice %arg8[%dma_start3A_246, %dma_start3A_247] : memref<512x32xf32, #tpu.memory_space<hbm>> -> memref<512x32xf32, #tpu.memory_space<hbm>>
        tpu.enqueue_indirect_dma source(%dma_start3A_248 : memref<512x32xf32, #tpu.memory_space<hbm>>) target(%arg13 : memref<128x32xf32, #tpu.memory_space<vmem>>) offsets(%dma_start3A_245 : memref<128xi32, #tpu.memory_space<vmem>>) semaphore(%arg15 : memref<!tpu.dma_semaphore, #tpu.memory_space<semaphore_mem>>)
        %dma_start3A_249 = arith.constant 3 : i32
        %dma_start3A_250 = arith.constant 0 : i32
        %dma_start3A_251 = tpu.memref_slice %arg10[%dma_start3A_249, %add3A_227, %dma_start3A_250] : memref<4x50x128xi32, #tpu.memory_space<vmem>> -> memref<1x1x128xi32, #tpu.memory_space<vmem>>
        %dma_start3A_252 = tpu.memref_squeeze %dma_start3A_251 : memref<1x1x128xi32, #tpu.memory_space<vmem>> -> memref<128xi32, #tpu.memory_space<vmem>>
        %dma_start3A_253 = arith.constant 0 : i32
        %dma_start3A_254 = arith.constant 0 : i32
        %dma_start3A_255 = tpu.memref_slice %arg8[%dma_start3A_253, %dma_start3A_254] : memref<512x32xf32, #tpu.memory_space<hbm>> -> memref<512x32xf32, #tpu.memory_space<hbm>>
        tpu.enqueue_indirect_dma source(%dma_start3A_255 : memref<512x32xf32, #tpu.memory_space<hbm>>) target(%arg14 : memref<128x32xf32, #tpu.memory_space<vmem>>) offsets(%dma_start3A_252 : memref<128xi32, #tpu.memory_space<vmem>>) semaphore(%arg15 : memref<!tpu.dma_semaphore, #tpu.memory_space<semaphore_mem>>)
      } else {
      }
      %add3A_132 = arith.constant 2 : i32
      %add3A_133 = arith.addi %add3A_79, %add3A_132 : i32
      %ge3A = arith.constant 50 : i32
      %ge3A_134 = arith.cmpi sge, %add3A_133, %ge3A : i32
      %convert_element_type3A_135 = arith.extui %ge3A_134 : i1 to i32
      %cond3A_136 = arith.constant 0 : i32
      %cond3A_137 = arith.cmpi ne, %convert_element_type3A_135, %cond3A_136 : i32
      scf.if %cond3A_137 {
        %mul3A_205 = arith.constant 6400 : i32
        %mul3A_206 = arith.muli %add3A, %mul3A_205 : i32
        %mul3A_207 = arith.constant 128 : i32
        %mul3A_208 = arith.muli %add3A_79, %mul3A_207 : i32
        %add3A_209 = arith.addi %mul3A_206, %mul3A_208 : i32
        %dma_wait3A_210 = arith.constant 0 : i32
        %dma_wait3A_211 = tpu.memref_slice %arg9[%add3A_209, %dma_wait3A_210] : memref<204800x224xf32, #tpu.memory_space<hbm>> -> memref<128x128xf32, #tpu.memory_space<hbm>>
        %dma_wait3A_212 = arith.constant 0 : i32
        %dma_wait3A_213 = tpu.memref_slice %arg9[%add3A_209, %dma_wait3A_212] : memref<204800x224xf32, #tpu.memory_space<hbm>> -> memref<128x128xf32, #tpu.memory_space<hbm>>
        tpu.wait_dma2 semaphore(%arg16 : memref<!tpu.dma_semaphore, #tpu.memory_space<semaphore_mem>>) src(%arg11 : memref<128x128xf32, #tpu.memory_space<vmem>>) dst(%dma_wait3A_213 : memref<128x128xf32, #tpu.memory_space<hbm>>)
        %dma_wait3A_214 = arith.constant 128 : i32
        %dma_wait3A_215 = tpu.memref_slice %arg9[%add3A_209, %dma_wait3A_214] : memref<204800x224xf32, #tpu.memory_space<hbm>> -> memref<128x32xf32, #tpu.memory_space<hbm>>
        %dma_wait3A_216 = arith.constant 128 : i32
        %dma_wait3A_217 = tpu.memref_slice %arg9[%add3A_209, %dma_wait3A_216] : memref<204800x224xf32, #tpu.memory_space<hbm>> -> memref<128x32xf32, #tpu.memory_space<hbm>>
        tpu.wait_dma2 semaphore(%arg16 : memref<!tpu.dma_semaphore, #tpu.memory_space<semaphore_mem>>) src(%arg12 : memref<128x32xf32, #tpu.memory_space<vmem>>) dst(%dma_wait3A_217 : memref<128x32xf32, #tpu.memory_space<hbm>>)
        %dma_wait3A_218 = arith.constant 160 : i32
        %dma_wait3A_219 = tpu.memref_slice %arg9[%add3A_209, %dma_wait3A_218] : memref<204800x224xf32, #tpu.memory_space<hbm>> -> memref<128x32xf32, #tpu.memory_space<hbm>>
        %dma_wait3A_220 = arith.constant 160 : i32
        %dma_wait3A_221 = tpu.memref_slice %arg9[%add3A_209, %dma_wait3A_220] : memref<204800x224xf32, #tpu.memory_space<hbm>> -> memref<128x32xf32, #tpu.memory_space<hbm>>
        tpu.wait_dma2 semaphore(%arg16 : memref<!tpu.dma_semaphore, #tpu.memory_space<semaphore_mem>>) src(%arg13 : memref<128x32xf32, #tpu.memory_space<vmem>>) dst(%dma_wait3A_221 : memref<128x32xf32, #tpu.memory_space<hbm>>)
        %dma_wait3A_222 = arith.constant 192 : i32
        %dma_wait3A_223 = tpu.memref_slice %arg9[%add3A_209, %dma_wait3A_222] : memref<204800x224xf32, #tpu.memory_space<hbm>> -> memref<128x32xf32, #tpu.memory_space<hbm>>
        %dma_wait3A_224 = arith.constant 192 : i32
        %dma_wait3A_225 = tpu.memref_slice %arg9[%add3A_209, %dma_wait3A_224] : memref<204800x224xf32, #tpu.memory_space<hbm>> -> memref<128x32xf32, #tpu.memory_space<hbm>>
        tpu.wait_dma2 semaphore(%arg16 : memref<!tpu.dma_semaphore, #tpu.memory_space<semaphore_mem>>) src(%arg14 : memref<128x32xf32, #tpu.memory_space<vmem>>) dst(%dma_wait3A_225 : memref<128x32xf32, #tpu.memory_space<hbm>>)
      } else {
      }
      %mul3A_138 = arith.constant 2 : i32
      %mul3A_139 = arith.muli %add3A_75, %mul3A_138 : i32
      %add3A_140 = arith.constant 1 : i32
      %add3A_141 = arith.addi %mul3A_139, %add3A_140 : i32
      %dma_wait3A_142 = arith.constant 0 : i32
      %dma_wait3A_143 = arith.constant 0 : i32
      %dma_wait3A_144 = tpu.memref_slice %arg10[%dma_wait3A_142, %add3A_141, %dma_wait3A_143] : memref<4x50x128xi32, #tpu.memory_space<vmem>> -> memref<1x1x128xi32, #tpu.memory_space<vmem>>
      %dma_wait3A_145 = tpu.memref_squeeze %dma_wait3A_144 : memref<1x1x128xi32, #tpu.memory_space<vmem>> -> memref<128xi32, #tpu.memory_space<vmem>>
      %dma_wait3A_146 = arith.constant 0 : i32
      %dma_wait3A_147 = arith.constant 0 : i32
      %dma_wait3A_148 = tpu.memref_slice %arg6[%dma_wait3A_146, %dma_wait3A_147] : memref<100000x128xf32, #tpu.memory_space<hbm>> -> memref<100000x128xf32, #tpu.memory_space<hbm>>
      tpu.wait_indirect_dma semaphore(%arg21 : memref<!tpu.dma_semaphore, #tpu.memory_space<semaphore_mem>>) src(%dma_wait3A_148 : memref<100000x128xf32, #tpu.memory_space<hbm>>) dst(%arg17 : memref<128x128xf32, #tpu.memory_space<vmem>>)
      %dma_wait3A_149 = arith.constant 1 : i32
      %dma_wait3A_150 = arith.constant 0 : i32
      %dma_wait3A_151 = tpu.memref_slice %arg10[%dma_wait3A_149, %add3A_141, %dma_wait3A_150] : memref<4x50x128xi32, #tpu.memory_space<vmem>> -> memref<1x1x128xi32, #tpu.memory_space<vmem>>
      %dma_wait3A_152 = tpu.memref_squeeze %dma_wait3A_151 : memref<1x1x128xi32, #tpu.memory_space<vmem>> -> memref<128xi32, #tpu.memory_space<vmem>>
      %dma_wait3A_153 = arith.constant 0 : i32
      %dma_wait3A_154 = arith.constant 0 : i32
      %dma_wait3A_155 = tpu.memref_slice %arg7[%dma_wait3A_153, %dma_wait3A_154] : memref<50x32xf32, #tpu.memory_space<hbm>> -> memref<50x32xf32, #tpu.memory_space<hbm>>
      tpu.wait_indirect_dma semaphore(%arg21 : memref<!tpu.dma_semaphore, #tpu.memory_space<semaphore_mem>>) src(%dma_wait3A_155 : memref<50x32xf32, #tpu.memory_space<hbm>>) dst(%arg18 : memref<128x32xf32, #tpu.memory_space<vmem>>)
      %dma_wait3A_156 = arith.constant 2 : i32
      %dma_wait3A_157 = arith.constant 0 : i32
      %dma_wait3A_158 = tpu.memref_slice %arg10[%dma_wait3A_156, %add3A_141, %dma_wait3A_157] : memref<4x50x128xi32, #tpu.memory_space<vmem>> -> memref<1x1x128xi32, #tpu.memory_space<vmem>>
      %dma_wait3A_159 = tpu.memref_squeeze %dma_wait3A_158 : memref<1x1x128xi32, #tpu.memory_space<vmem>> -> memref<128xi32, #tpu.memory_space<vmem>>
      %dma_wait3A_160 = arith.constant 0 : i32
      %dma_wait3A_161 = arith.constant 0 : i32
      %dma_wait3A_162 = tpu.memref_slice %arg8[%dma_wait3A_160, %dma_wait3A_161] : memref<512x32xf32, #tpu.memory_space<hbm>> -> memref<512x32xf32, #tpu.memory_space<hbm>>
      tpu.wait_indirect_dma semaphore(%arg21 : memref<!tpu.dma_semaphore, #tpu.memory_space<semaphore_mem>>) src(%dma_wait3A_162 : memref<512x32xf32, #tpu.memory_space<hbm>>) dst(%arg19 : memref<128x32xf32, #tpu.memory_space<vmem>>)
      %dma_wait3A_163 = arith.constant 3 : i32
      %dma_wait3A_164 = arith.constant 0 : i32
      %dma_wait3A_165 = tpu.memref_slice %arg10[%dma_wait3A_163, %add3A_141, %dma_wait3A_164] : memref<4x50x128xi32, #tpu.memory_space<vmem>> -> memref<1x1x128xi32, #tpu.memory_space<vmem>>
      %dma_wait3A_166 = tpu.memref_squeeze %dma_wait3A_165 : memref<1x1x128xi32, #tpu.memory_space<vmem>> -> memref<128xi32, #tpu.memory_space<vmem>>
      %dma_wait3A_167 = arith.constant 0 : i32
      %dma_wait3A_168 = arith.constant 0 : i32
      %dma_wait3A_169 = tpu.memref_slice %arg8[%dma_wait3A_167, %dma_wait3A_168] : memref<512x32xf32, #tpu.memory_space<hbm>> -> memref<512x32xf32, #tpu.memory_space<hbm>>
      tpu.wait_indirect_dma semaphore(%arg21 : memref<!tpu.dma_semaphore, #tpu.memory_space<semaphore_mem>>) src(%dma_wait3A_169 : memref<512x32xf32, #tpu.memory_space<hbm>>) dst(%arg20 : memref<128x32xf32, #tpu.memory_space<vmem>>)
      %mul3A_170 = arith.constant 6400 : i32
      %mul3A_171 = arith.muli %add3A, %mul3A_170 : i32
      %mul3A_172 = arith.constant 128 : i32
      %mul3A_173 = arith.muli %add3A_141, %mul3A_172 : i32
      %add3A_174 = arith.addi %mul3A_171, %mul3A_173 : i32
      %dma_start3A_175 = arith.constant 0 : i32
      %dma_start3A_176 = tpu.memref_slice %arg9[%add3A_174, %dma_start3A_175] : memref<204800x224xf32, #tpu.memory_space<hbm>> -> memref<128x128xf32, #tpu.memory_space<hbm>>
      %dma_start3A_177 = arith.constant 0 : i32
      %dma_start3A_178 = tpu.memref_slice %arg9[%add3A_174, %dma_start3A_177] : memref<204800x224xf32, #tpu.memory_space<hbm>> -> memref<128x128xf32, #tpu.memory_space<hbm>>
      tpu.enqueue_dma source(%arg17 : memref<128x128xf32, #tpu.memory_space<vmem>>) target(%dma_start3A_178 : memref<128x128xf32, #tpu.memory_space<hbm>>) target_semaphore(%arg22 : memref<!tpu.dma_semaphore, #tpu.memory_space<semaphore_mem>>)
      %dma_start3A_179 = arith.constant 128 : i32
      %dma_start3A_180 = tpu.memref_slice %arg9[%add3A_174, %dma_start3A_179] : memref<204800x224xf32, #tpu.memory_space<hbm>> -> memref<128x32xf32, #tpu.memory_space<hbm>>
      %dma_start3A_181 = arith.constant 128 : i32
      %dma_start3A_182 = tpu.memref_slice %arg9[%add3A_174, %dma_start3A_181] : memref<204800x224xf32, #tpu.memory_space<hbm>> -> memref<128x32xf32, #tpu.memory_space<hbm>>
      tpu.enqueue_dma source(%arg18 : memref<128x32xf32, #tpu.memory_space<vmem>>) target(%dma_start3A_182 : memref<128x32xf32, #tpu.memory_space<hbm>>) target_semaphore(%arg22 : memref<!tpu.dma_semaphore, #tpu.memory_space<semaphore_mem>>)
      %dma_start3A_183 = arith.constant 160 : i32
      %dma_start3A_184 = tpu.memref_slice %arg9[%add3A_174, %dma_start3A_183] : memref<204800x224xf32, #tpu.memory_space<hbm>> -> memref<128x32xf32, #tpu.memory_space<hbm>>
      %dma_start3A_185 = arith.constant 160 : i32
      %dma_start3A_186 = tpu.memref_slice %arg9[%add3A_174, %dma_start3A_185] : memref<204800x224xf32, #tpu.memory_space<hbm>> -> memref<128x32xf32, #tpu.memory_space<hbm>>
      tpu.enqueue_dma source(%arg19 : memref<128x32xf32, #tpu.memory_space<vmem>>) target(%dma_start3A_186 : memref<128x32xf32, #tpu.memory_space<hbm>>) target_semaphore(%arg22 : memref<!tpu.dma_semaphore, #tpu.memory_space<semaphore_mem>>)
      %dma_start3A_187 = arith.constant 192 : i32
      %dma_start3A_188 = tpu.memref_slice %arg9[%add3A_174, %dma_start3A_187] : memref<204800x224xf32, #tpu.memory_space<hbm>> -> memref<128x32xf32, #tpu.memory_space<hbm>>
      %dma_start3A_189 = arith.constant 192 : i32
      %dma_start3A_190 = tpu.memref_slice %arg9[%add3A_174, %dma_start3A_189] : memref<204800x224xf32, #tpu.memory_space<hbm>> -> memref<128x32xf32, #tpu.memory_space<hbm>>
      tpu.enqueue_dma source(%arg20 : memref<128x32xf32, #tpu.memory_space<vmem>>) target(%dma_start3A_190 : memref<128x32xf32, #tpu.memory_space<hbm>>) target_semaphore(%arg22 : memref<!tpu.dma_semaphore, #tpu.memory_space<semaphore_mem>>)
      %add3A_191 = arith.constant 2 : i32
      %add3A_192 = arith.addi %add3A_141, %add3A_191 : i32
      %lt3A_193 = arith.constant 50 : i32
      %lt3A_194 = arith.cmpi slt, %add3A_192, %lt3A_193 : i32
      %convert_element_type3A_195 = arith.extui %lt3A_194 : i1 to i32
      %cond3A_196 = arith.constant 0 : i32
      %cond3A_197 = arith.cmpi ne, %convert_element_type3A_195, %cond3A_196 : i32
      scf.if %cond3A_197 {
        %mul3A_205 = arith.constant 6400 : i32
        %mul3A_206 = arith.muli %add3A, %mul3A_205 : i32
        %mul3A_207 = arith.constant 128 : i32
        %mul3A_208 = arith.muli %add3A_141, %mul3A_207 : i32
        %add3A_209 = arith.addi %mul3A_206, %mul3A_208 : i32
        %dma_wait3A_210 = arith.constant 0 : i32
        %dma_wait3A_211 = tpu.memref_slice %arg9[%add3A_209, %dma_wait3A_210] : memref<204800x224xf32, #tpu.memory_space<hbm>> -> memref<128x128xf32, #tpu.memory_space<hbm>>
        %dma_wait3A_212 = arith.constant 0 : i32
        %dma_wait3A_213 = tpu.memref_slice %arg9[%add3A_209, %dma_wait3A_212] : memref<204800x224xf32, #tpu.memory_space<hbm>> -> memref<128x128xf32, #tpu.memory_space<hbm>>
        tpu.wait_dma2 semaphore(%arg22 : memref<!tpu.dma_semaphore, #tpu.memory_space<semaphore_mem>>) src(%arg17 : memref<128x128xf32, #tpu.memory_space<vmem>>) dst(%dma_wait3A_213 : memref<128x128xf32, #tpu.memory_space<hbm>>)
        %dma_wait3A_214 = arith.constant 128 : i32
        %dma_wait3A_215 = tpu.memref_slice %arg9[%add3A_209, %dma_wait3A_214] : memref<204800x224xf32, #tpu.memory_space<hbm>> -> memref<128x32xf32, #tpu.memory_space<hbm>>
        %dma_wait3A_216 = arith.constant 128 : i32
        %dma_wait3A_217 = tpu.memref_slice %arg9[%add3A_209, %dma_wait3A_216] : memref<204800x224xf32, #tpu.memory_space<hbm>> -> memref<128x32xf32, #tpu.memory_space<hbm>>
        tpu.wait_dma2 semaphore(%arg22 : memref<!tpu.dma_semaphore, #tpu.memory_space<semaphore_mem>>) src(%arg18 : memref<128x32xf32, #tpu.memory_space<vmem>>) dst(%dma_wait3A_217 : memref<128x32xf32, #tpu.memory_space<hbm>>)
        %dma_wait3A_218 = arith.constant 160 : i32
        %dma_wait3A_219 = tpu.memref_slice %arg9[%add3A_209, %dma_wait3A_218] : memref<204800x224xf32, #tpu.memory_space<hbm>> -> memref<128x32xf32, #tpu.memory_space<hbm>>
        %dma_wait3A_220 = arith.constant 160 : i32
        %dma_wait3A_221 = tpu.memref_slice %arg9[%add3A_209, %dma_wait3A_220] : memref<204800x224xf32, #tpu.memory_space<hbm>> -> memref<128x32xf32, #tpu.memory_space<hbm>>
        tpu.wait_dma2 semaphore(%arg22 : memref<!tpu.dma_semaphore, #tpu.memory_space<semaphore_mem>>) src(%arg19 : memref<128x32xf32, #tpu.memory_space<vmem>>) dst(%dma_wait3A_221 : memref<128x32xf32, #tpu.memory_space<hbm>>)
        %dma_wait3A_222 = arith.constant 192 : i32
        %dma_wait3A_223 = tpu.memref_slice %arg9[%add3A_209, %dma_wait3A_222] : memref<204800x224xf32, #tpu.memory_space<hbm>> -> memref<128x32xf32, #tpu.memory_space<hbm>>
        %dma_wait3A_224 = arith.constant 192 : i32
        %dma_wait3A_225 = tpu.memref_slice %arg9[%add3A_209, %dma_wait3A_224] : memref<204800x224xf32, #tpu.memory_space<hbm>> -> memref<128x32xf32, #tpu.memory_space<hbm>>
        tpu.wait_dma2 semaphore(%arg22 : memref<!tpu.dma_semaphore, #tpu.memory_space<semaphore_mem>>) src(%arg20 : memref<128x32xf32, #tpu.memory_space<vmem>>) dst(%dma_wait3A_225 : memref<128x32xf32, #tpu.memory_space<hbm>>)
        %add3A_226 = arith.constant 2 : i32
        %add3A_227 = arith.addi %add3A_141, %add3A_226 : i32
        %dma_start3A_228 = arith.constant 0 : i32
        %dma_start3A_229 = arith.constant 0 : i32
        %dma_start3A_230 = tpu.memref_slice %arg10[%dma_start3A_228, %add3A_227, %dma_start3A_229] : memref<4x50x128xi32, #tpu.memory_space<vmem>> -> memref<1x1x128xi32, #tpu.memory_space<vmem>>
        %dma_start3A_231 = tpu.memref_squeeze %dma_start3A_230 : memref<1x1x128xi32, #tpu.memory_space<vmem>> -> memref<128xi32, #tpu.memory_space<vmem>>
        %dma_start3A_232 = arith.constant 0 : i32
        %dma_start3A_233 = arith.constant 0 : i32
        %dma_start3A_234 = tpu.memref_slice %arg6[%dma_start3A_232, %dma_start3A_233] : memref<100000x128xf32, #tpu.memory_space<hbm>> -> memref<100000x128xf32, #tpu.memory_space<hbm>>
        tpu.enqueue_indirect_dma source(%dma_start3A_234 : memref<100000x128xf32, #tpu.memory_space<hbm>>) target(%arg17 : memref<128x128xf32, #tpu.memory_space<vmem>>) offsets(%dma_start3A_231 : memref<128xi32, #tpu.memory_space<vmem>>) semaphore(%arg21 : memref<!tpu.dma_semaphore, #tpu.memory_space<semaphore_mem>>)
        %dma_start3A_235 = arith.constant 1 : i32
        %dma_start3A_236 = arith.constant 0 : i32
        %dma_start3A_237 = tpu.memref_slice %arg10[%dma_start3A_235, %add3A_227, %dma_start3A_236] : memref<4x50x128xi32, #tpu.memory_space<vmem>> -> memref<1x1x128xi32, #tpu.memory_space<vmem>>
        %dma_start3A_238 = tpu.memref_squeeze %dma_start3A_237 : memref<1x1x128xi32, #tpu.memory_space<vmem>> -> memref<128xi32, #tpu.memory_space<vmem>>
        %dma_start3A_239 = arith.constant 0 : i32
        %dma_start3A_240 = arith.constant 0 : i32
        %dma_start3A_241 = tpu.memref_slice %arg7[%dma_start3A_239, %dma_start3A_240] : memref<50x32xf32, #tpu.memory_space<hbm>> -> memref<50x32xf32, #tpu.memory_space<hbm>>
        tpu.enqueue_indirect_dma source(%dma_start3A_241 : memref<50x32xf32, #tpu.memory_space<hbm>>) target(%arg18 : memref<128x32xf32, #tpu.memory_space<vmem>>) offsets(%dma_start3A_238 : memref<128xi32, #tpu.memory_space<vmem>>) semaphore(%arg21 : memref<!tpu.dma_semaphore, #tpu.memory_space<semaphore_mem>>)
        %dma_start3A_242 = arith.constant 2 : i32
        %dma_start3A_243 = arith.constant 0 : i32
        %dma_start3A_244 = tpu.memref_slice %arg10[%dma_start3A_242, %add3A_227, %dma_start3A_243] : memref<4x50x128xi32, #tpu.memory_space<vmem>> -> memref<1x1x128xi32, #tpu.memory_space<vmem>>
        %dma_start3A_245 = tpu.memref_squeeze %dma_start3A_244 : memref<1x1x128xi32, #tpu.memory_space<vmem>> -> memref<128xi32, #tpu.memory_space<vmem>>
        %dma_start3A_246 = arith.constant 0 : i32
        %dma_start3A_247 = arith.constant 0 : i32
        %dma_start3A_248 = tpu.memref_slice %arg8[%dma_start3A_246, %dma_start3A_247] : memref<512x32xf32, #tpu.memory_space<hbm>> -> memref<512x32xf32, #tpu.memory_space<hbm>>
        tpu.enqueue_indirect_dma source(%dma_start3A_248 : memref<512x32xf32, #tpu.memory_space<hbm>>) target(%arg19 : memref<128x32xf32, #tpu.memory_space<vmem>>) offsets(%dma_start3A_245 : memref<128xi32, #tpu.memory_space<vmem>>) semaphore(%arg21 : memref<!tpu.dma_semaphore, #tpu.memory_space<semaphore_mem>>)
        %dma_start3A_249 = arith.constant 3 : i32
        %dma_start3A_250 = arith.constant 0 : i32
        %dma_start3A_251 = tpu.memref_slice %arg10[%dma_start3A_249, %add3A_227, %dma_start3A_250] : memref<4x50x128xi32, #tpu.memory_space<vmem>> -> memref<1x1x128xi32, #tpu.memory_space<vmem>>
        %dma_start3A_252 = tpu.memref_squeeze %dma_start3A_251 : memref<1x1x128xi32, #tpu.memory_space<vmem>> -> memref<128xi32, #tpu.memory_space<vmem>>
        %dma_start3A_253 = arith.constant 0 : i32
        %dma_start3A_254 = arith.constant 0 : i32
        %dma_start3A_255 = tpu.memref_slice %arg8[%dma_start3A_253, %dma_start3A_254] : memref<512x32xf32, #tpu.memory_space<hbm>> -> memref<512x32xf32, #tpu.memory_space<hbm>>
        tpu.enqueue_indirect_dma source(%dma_start3A_255 : memref<512x32xf32, #tpu.memory_space<hbm>>) target(%arg20 : memref<128x32xf32, #tpu.memory_space<vmem>>) offsets(%dma_start3A_252 : memref<128xi32, #tpu.memory_space<vmem>>) semaphore(%arg21 : memref<!tpu.dma_semaphore, #tpu.memory_space<semaphore_mem>>)
      } else {
      }
      %add3A_198 = arith.constant 2 : i32
      %add3A_199 = arith.addi %add3A_141, %add3A_198 : i32
      %ge3A_200 = arith.constant 50 : i32
      %ge3A_201 = arith.cmpi sge, %add3A_199, %ge3A_200 : i32
      %convert_element_type3A_202 = arith.extui %ge3A_201 : i1 to i32
      %cond3A_203 = arith.constant 0 : i32
      %cond3A_204 = arith.cmpi ne, %convert_element_type3A_202, %cond3A_203 : i32
      scf.if %cond3A_204 {
        %mul3A_205 = arith.constant 6400 : i32
        %mul3A_206 = arith.muli %add3A, %mul3A_205 : i32
        %mul3A_207 = arith.constant 128 : i32
        %mul3A_208 = arith.muli %add3A_141, %mul3A_207 : i32
        %add3A_209 = arith.addi %mul3A_206, %mul3A_208 : i32
        %dma_wait3A_210 = arith.constant 0 : i32
        %dma_wait3A_211 = tpu.memref_slice %arg9[%add3A_209, %dma_wait3A_210] : memref<204800x224xf32, #tpu.memory_space<hbm>> -> memref<128x128xf32, #tpu.memory_space<hbm>>
        %dma_wait3A_212 = arith.constant 0 : i32
        %dma_wait3A_213 = tpu.memref_slice %arg9[%add3A_209, %dma_wait3A_212] : memref<204800x224xf32, #tpu.memory_space<hbm>> -> memref<128x128xf32, #tpu.memory_space<hbm>>
        tpu.wait_dma2 semaphore(%arg22 : memref<!tpu.dma_semaphore, #tpu.memory_space<semaphore_mem>>) src(%arg17 : memref<128x128xf32, #tpu.memory_space<vmem>>) dst(%dma_wait3A_213 : memref<128x128xf32, #tpu.memory_space<hbm>>)
        %dma_wait3A_214 = arith.constant 128 : i32
        %dma_wait3A_215 = tpu.memref_slice %arg9[%add3A_209, %dma_wait3A_214] : memref<204800x224xf32, #tpu.memory_space<hbm>> -> memref<128x32xf32, #tpu.memory_space<hbm>>
        %dma_wait3A_216 = arith.constant 128 : i32
        %dma_wait3A_217 = tpu.memref_slice %arg9[%add3A_209, %dma_wait3A_216] : memref<204800x224xf32, #tpu.memory_space<hbm>> -> memref<128x32xf32, #tpu.memory_space<hbm>>
        tpu.wait_dma2 semaphore(%arg22 : memref<!tpu.dma_semaphore, #tpu.memory_space<semaphore_mem>>) src(%arg18 : memref<128x32xf32, #tpu.memory_space<vmem>>) dst(%dma_wait3A_217 : memref<128x32xf32, #tpu.memory_space<hbm>>)
        %dma_wait3A_218 = arith.constant 160 : i32
        %dma_wait3A_219 = tpu.memref_slice %arg9[%add3A_209, %dma_wait3A_218] : memref<204800x224xf32, #tpu.memory_space<hbm>> -> memref<128x32xf32, #tpu.memory_space<hbm>>
        %dma_wait3A_220 = arith.constant 160 : i32
        %dma_wait3A_221 = tpu.memref_slice %arg9[%add3A_209, %dma_wait3A_220] : memref<204800x224xf32, #tpu.memory_space<hbm>> -> memref<128x32xf32, #tpu.memory_space<hbm>>
        tpu.wait_dma2 semaphore(%arg22 : memref<!tpu.dma_semaphore, #tpu.memory_space<semaphore_mem>>) src(%arg19 : memref<128x32xf32, #tpu.memory_space<vmem>>) dst(%dma_wait3A_221 : memref<128x32xf32, #tpu.memory_space<hbm>>)
        %dma_wait3A_222 = arith.constant 192 : i32
        %dma_wait3A_223 = tpu.memref_slice %arg9[%add3A_209, %dma_wait3A_222] : memref<204800x224xf32, #tpu.memory_space<hbm>> -> memref<128x32xf32, #tpu.memory_space<hbm>>
        %dma_wait3A_224 = arith.constant 192 : i32
        %dma_wait3A_225 = tpu.memref_slice %arg9[%add3A_209, %dma_wait3A_224] : memref<204800x224xf32, #tpu.memory_space<hbm>> -> memref<128x32xf32, #tpu.memory_space<hbm>>
        tpu.wait_dma2 semaphore(%arg22 : memref<!tpu.dma_semaphore, #tpu.memory_space<semaphore_mem>>) src(%arg20 : memref<128x32xf32, #tpu.memory_space<vmem>>) dst(%dma_wait3A_225 : memref<128x32xf32, #tpu.memory_space<hbm>>)
      } else {
      }
    }
    %scan3A_70 = arith.constant 25 : i32
    return
  }
}

</mosaic_0001>

<sc_bundles>
// kernel: _emb_call.3.cloned.1.call-start
scs
__scs_entry_jumppad:
0x0: {  	(pc) =	sbr.rel $0x88, $3  }
0x1: {  	(tag) =	ssettag $0x0;
	lr =	simm.s32 $0x1  }
0x2: {  	[smem:$0x3F9A] =	sst lr;
	_ =	strace $0xD0000000  }
0x3: {  	_ = 	snop  }
0x4: {  	_ = 	snop  }
0x5: {  	_ = 	snop  }
0x6: {  	_ = 	snop  }
0x7: {  	_ = 	snop  }
__scs_overlays_trampoline_lowered:
0x8: {  	[smem:$0x3FA9] =	sst s0  }
0x9: {  	[smem:$0x3FAA] =	sst s1  }
0xa: {  	[smem:$0x3FAB] =	sst s2  }
0xb: {  	[smem:$0x3FAC] =	sst s3  }
0xc: {  	[smem:$0x3FAD] =	sst s4  }
0xd: {  	[smem:$0x3FAE] =	sst s5  }
0xe: {  	[smem:$0x3FAF] =	sst s6  }
0xf: {  	[smem:$0x3FB0] =	sst s7  }
0x10: {  	[smem:$0x3FB1] =	sst s8  }
0x11: {  	[smem:$0x3FB2] =	sst s9;
	s0 =	simm.s32 @!p0 $0x0  }
0x12: {  	s1 =	sld [smem:$0x3F98];
	s0 =	simm.s32 @p0 $0x1  }
0x13: {  	[smem:$0x3FB3] =	sst s0;
	s0 =	simm.s32 @!p1 $0x0  }
0x14: {  	s2 =	sld [smem:$0x3F97];
	s0 =	simm.s32 @p1 $0x1  }
0x15: {  	[smem:$0x3FB4] =	sst s0;
	s0 =	simm.s32 @!p2 $0x0  }
0x16: {  	s3 =	sld [smem:$0x3FDB];
	s0 =	simm.s32 @p2 $0x1  }
0x17: {  	s4 =	simm.s32 $0x1BF5;
	[smem:$0x3FB6] =	sst s0  }
0x18: {  	s0 =	sld [smem:$0x3F99];
	_ =	swait.ge [sflag:s4], $0x0  }
0x19: {  	s7 =	sld [smem:$0x3F9A]  }
0x1a: {  	s8 =	sadd.s32 $0xFFFFE003, lr  }
0x1b: {  	s9 =	sadd.s32 $0xFFFFFEF7, lr;
	s5 =	simm.s32 $0xFFFFFFFF;
	p2 =	slt.u32 s8, $0xFFFFF086  }
0x1c: {  	p1 =	slt.u32 s9, $0xF7A;
	s5 =	simm.s32 @!p2 $0x0  }
0x1d: {  	s5 =	simm.s32 @p1 $0x1;
	p0 =	seq.s32 s7, s2  }
0x1e: {  	s7 =	smul.u32 @!p0 $0xF7A, s2;
	p2 =	seq.s32 @!p0 s5, $0x0  }
0x1f: {  	s9 =	smul.u32 $0xF7A, s1;
	s8 =	simm.s32 @!p0 $0x1BF5;
	p2 =	por !p2, p0  }
0x20: {  	[sflag:s8] =	ssyncset.s32 @!p0 $0xFFFFF086;
	s6 =	sadd.s32 @!p0 s3, s7;
	s7 =	simm.s32 @!p0 $0x108  }
0x21: {  	s3 =	sadd.s32 s3, s9;
	s6 =	sadd.s32 @!p0 $0x88, s6;
	s7 =	simm.s32 @p2 $0x1082  }
0x22: {  	[simem:s7], [sflag:s8] =	dma.local @!p0 [hbm:s6], $0xF7A  }
0x23: {  	s9 =	sor.u32 $0xD0000000, s2;
	s6 =	simm.s32 $0x108;
	_ =	swait.ge @!p0 [sflag:s8], $0x0  }
0x24: {  	s3 =	sadd.s32 $0x88, s3;
	s6 =	simm.s32 @!p1 $0x1082;
	[sflag:s4] =	ssyncset.s32 $0xFFFFF086  }
0x25: {  	[simem:s6], [sflag:s4] =	dma.local [hbm:s3], $0xF7A  }
0x26: {  	[smem:$0x3F9A] =	sst s1;
	(tag) =	ssettag s2;
	_ =	strace s9  }
0x27: {  	s1 =	sld [smem:$0x3FAA]  }
0x28: {  	s2 =	sld [smem:$0x3FAB]  }
0x29: {  	s4 =	sld [smem:$0x3FAD]  }
0x2a: {  	p0 =	seq.s32 s5, $0x0;
	s5 =	sld [smem:$0x3FAE]  }
0x2b: {  	s6 =	sld [smem:$0x3FAF]  }
0x2c: {  	s7 =	sld [smem:$0x3FB0]  }
0x2d: {  	s3 =	simm.s32 $0x108;
	s8 =	sld [smem:$0x3FB1]  }
0x2e: {  	s3 =	simm.s32 @!p0 $0x1082;
	s9 =	sld [smem:$0x3FB2]  }
0x2f: {  	lr =	sadd.s32 s0, s3;
	s0 =	sld [smem:$0x3FA9]  }
0x30: {  	s3 =	sld [smem:$0x3FAC]  }
0x31: {  	[smem:$0x3FB5] =	sst s10  }
0x32: {  	s10 =	sld [smem:$0x3FB3];
	_ =	sdelay $0x3  }
0x33: {  	p0 =	seq.s32 s10, $0x1;
	s10 =	sld [smem:$0x3FB5];
	_ =	sdelay $0x3  }
0x34: {  	[smem:$0x3FB5] =	sst s10  }
0x35: {  	s10 =	sld [smem:$0x3FB4];
	_ =	sdelay $0x3  }
0x36: {  	p1 =	seq.s32 s10, $0x1;
	s10 =	sld [smem:$0x3FB5];
	_ =	sdelay $0x3  }
0x37: {  	[smem:$0x3FB5] =	sst s10  }
0x38: {  	s10 =	sld [smem:$0x3FB6]  }
0x39: {  	_ = 	snop;
	(pc) =	sbr.ind lr, $3  }
0x3a: {  	_ = 	snop  }
0x3b: {  	_ = 	snop  }
0x3c: {  	p2 =	seq.s32 s10, $0x1;
	s10 =	sld [smem:$0x3FB5]  }
0x3d: {  	_ =	shalt  }
0x3e: {  	_ =	shalt  }
0x3f: {  	_ =	shalt  }
0x40: {  	_ =	shalt  }
0x41: {  	_ =	shalt  }
0x42: {  	_ =	shalt  }
0x43: {  	_ =	shalt  }
0x44: {  	_ =	shalt  }
0x45: {  	_ =	shalt  }
0x46: {  	_ =	shalt  }
0x47: {  	_ =	shalt  }
0x48: {  	_ =	shalt  }
0x49: {  	_ =	shalt  }
0x4a: {  	_ =	shalt  }
0x4b: {  	_ =	shalt  }
0x4c: {  	_ =	shalt  }
0x4d: {  	_ =	shalt  }
0x4e: {  	_ =	shalt  }
0x4f: {  	_ =	shalt  }
0x50: {  	_ =	shalt  }
0x51: {  	_ =	shalt  }
0x52: {  	_ =	shalt  }
0x53: {  	_ =	shalt  }
0x54: {  	_ =	shalt  }
0x55: {  	_ =	shalt  }
0x56: {  	_ =	shalt  }
0x57: {  	_ =	shalt  }
0x58: {  	_ =	shalt  }
0x59: {  	_ =	shalt  }
0x5a: {  	_ =	shalt  }
0x5b: {  	_ =	shalt  }
0x5c: {  	_ =	shalt  }
0x5d: {  	_ =	shalt  }
0x5e: {  	_ =	shalt  }
0x5f: {  	_ =	shalt  }
0x60: {  	_ =	shalt  }
0x61: {  	_ =	shalt  }
0x62: {  	_ =	shalt  }
0x63: {  	_ =	shalt  }
0x64: {  	_ =	shalt  }
0x65: {  	_ =	shalt  }
0x66: {  	_ =	shalt  }
0x67: {  	_ =	shalt  }
0x68: {  	_ =	shalt  }
0x69: {  	_ =	shalt  }
0x6a: {  	_ =	shalt  }
0x6b: {  	_ =	shalt  }
0x6c: {  	_ =	shalt  }
0x6d: {  	_ =	shalt  }
0x6e: {  	_ =	shalt  }
0x6f: {  	_ =	shalt  }
0x70: {  	_ =	shalt  }
0x71: {  	_ =	shalt  }
0x72: {  	_ =	shalt  }
0x73: {  	_ =	shalt  }
0x74: {  	_ =	shalt  }
0x75: {  	_ =	shalt  }
0x76: {  	_ =	shalt  }
0x77: {  	_ =	shalt  }
0x78: {  	_ =	shalt  }
0x79: {  	_ =	shalt  }
0x7a: {  	_ =	shalt  }
0x7b: {  	_ =	shalt  }
0x7c: {  	_ =	shalt  }
0x7d: {  	_ =	shalt  }
0x7e: {  	_ =	shalt  }
0x7f: {  	_ =	shalt  }
0x80: {  	_ =	shalt  }
0x81: {  	_ =	shalt  }
0x82: {  	_ =	shalt  }
0x83: {  	_ =	shalt  }
0x84: {  	_ =	shalt  }
0x85: {  	_ =	shalt  }
0x86: {  	_ =	shalt  }
0x87: {  	_ =	shalt  }
.Lfunc_end0:
.L_simem_size_0:
called_computation.1_lowered:
.L_overlay_start_0:
0x88: {  	s2 =	sld [smem:$0x3FD9]  }
0x89: {  	s3 =	sld [smem:$0x3FFE];
	_ =	sdelay $0x1  }
0x8a: {  	s1 =	srdreg.scid  }
0x8b: {  	s0 =	sand.u32 $0x1, s1  }
0x8c: {  	s17 =	sshll.u32 s0, $0xA;
	s2 =	sadd.s32 s3, s2  }
0x8d: {  	s2 =	sadd.s32 s2, s17  }
0x8e: {  	[smem:$0x3FC1] =	sst s2  }
0x8f: {  	_ = 	snop  }
0x90: {  	s2 =	sld [smem:$0x3FC5]  }
0x91: {  	s18 =	sld [smem:$0x3FD0];
	(tm) =	ssettm $0x1  }
0x92: {  	s4 =	sld [smem:$0x3FFB];
	_ =	sdelay $0x3  }
0x93: {  	_ =	strace s4  }
0x94: {  	s4 =	sld [smem:$0x3FFC];
	_ =	sdelay $0x3  }
0x95: {  	_ =	strace s4  }
0x96: {  	s4 =	sld [smem:$0x3FFD];
	_ =	sdelay $0x3  }
0x97: {  	_ =	strace s4  }
0x98: {  	_ =	strace $0x8FFFFFFF  }
0x99: {  	s19 =	sld [smem:$0x3FDB];
	_ =	sdelay $0x1  }
0x9a: {  	s5 =	simm.s32 $_scs_section_size  }
0x9b: {  	s6 =	simm.s32 $_size__tile_overlayer_lowered;
	s7 =	simm.s32 $_tile_overlayer_lowered  }
0x9c: {  	s22 =	simm.s32 $0x1BFF;
	s21 =	sshll.u32 s7, $0x1;
	s4 =	sadd.s32 s5, s19  }
0x9d: {  	s8 =	simm.s32 $0x0;
	s20 =	sshll.u32 s6, $0x1;
	s6 =	sadd.s32 s21, s4  }
0x9e: {  	[timem:s8], [sflag:s22] =	dma.local [hbm:s6], s20  }
0x9f: {  	_ =	swait.ge [sflag:s22], s20  }
0xa0: {  	s5 =	ssub.s32 $0x0, s20;
	[sflag:s22] =	ssyncset.done $0x0  }
0xa1: {  	[sflag:s22] =	ssyncadd.s32 s5;
	_ =	sdelay $0x1  }
0xa2: {  	s23 =	simm.s32 $0x1B8B  }
0xa3: {  	_ =	swait.ge [sflag:s23], $0x1  }
0xa4: {  	[sflag:s23] =	ssyncset.done $0x0  }
0xa5: {  	s25 =	simm.s32 $0x1B8E;
	s24 =	sld [smem:$0x3FFE];
	[sflag:s23] =	ssyncadd.s32 $0xFFFFFFFF  }
0xa6: {  	s26 =	simm.s32 $execute0_lowered;
	[smem:$0x3FD2] =	sst s25  }
0xa7: {  	s6 =	sshll.u32 s26, $0x1;
	_ =	strace $0x80000046;
	[dreg:$0x1] =	wrdreg $0xFFFFFFFF  }
0xa8: {  	s28 =	simm.s32 $_size_execute0_lowered;
	s4 =	sadd.s32 s4, s6;
	[dreg:$0x0] =	wrdreg $0x0  }
0xa9: {  	s6 =	sshll.u32 s28, $0x1;
	[dreg:$0x2] =	wrdreg s4  }
0xaa: {  	[dreg:$0x3] =	wrdreg s6  }
0xab: {  	[dreg:$0x4] =	wrdreg $0xC0  }
0xac: {  	_ =	task [dreg:s8], $0x5FFFF  }
0xad: {  	[dreg:$0x1] =	wrdreg $0xFFFFFFFF  }
0xae: {  	[dreg:$0x0] =	wrdreg $0x60  }
0xaf: {  	[dreg:$0x2] =	wrdreg s24  }
0xb0: {  	[dreg:$0x3] =	wrdreg s2  }
0xb1: {  	[dreg:$0x4] =	wrdreg s18  }
0xb2: {  	[dreg:$0x5] =	wrdreg $0x9  }
0xb3: {  	_ =	task.clear_ibuf [dreg:s8], $0x6FFFF;
	_ =	strace $0x90000046  }
0xb4: {  	s29 =	simm.s32 $0x9;
	_ =	strace $0x80000048  }
0xb5: {  	_ =	swait.ge [sflag:s29], $0x1  }
0xb6: {  	[sflag:s29] =	ssyncadd.s32 $0xFFFFFFFF  }
0xb7: {  	_ =	strace $0x90000048  }
0xb8: {  	_ =	sfence  }
0xb9: {  	s30 =	sld [smem:$0x0];
	_ =	sdelay $0x2  }
0xba: {  	s31 =	sshll.u32 s1, $0xD;
	s1 =	sshrl.u32 s1, $0x2  }
0xbb: {  	s3 =	sand.u32 $0x4000, s31;
	s1 =	sadd.s32 s1, s30  }
0xbc: {  	s0 =	sor.u32 s3, s0;
	s1 =	sshll.u32 s1, $0x11  }
0xbd: {  	s0 =	sor.u32 s1, s0  }
0xbe: {  	s0 =	sadd.s32 $0x8F2B, s0  }
0xbf: {  	[sflag:s0] =	ssyncadd.remote.s32 $0x1  }
0xc0: {  	_ =	sfence.sel $0xFFFF  }
0xc1: {  	[dreg:$0x0] =	wrdreg $0xFFFFFFFF;
	(pc) =	sbr.abs _section_cstart, $3  }
0xc2: {  	[dreg:$0x1] =	wrdreg $0xFFFFFFFF  }
0xc3: {  	_ =	task.clear_ibuf [dreg:s8], $0x2FFFF;
	_ =	strace $0x9FFFFFFF  }
0xc4: {  	(tm) =	ssettm $0x7FFFFFFF  }
0xc5: {  	_ =	shalt  }
tec
execute0_lowered:
.L_overlay_start_1:
0x0: {  	(tag) =	ssettag $0x1  }
0x1: {  	s1 =	rddreg [dreg:$0x0]  }
0x2: {  	s0 =	srdreg.scid;
	s2 =	rddreg [dreg:$0x1]  }
0x3: {  	s8 =	stileid.u32;
	s6 =	rddreg [dreg:$0x2];
	s12 =	simm.s32 $0x5  }
0x4: {  	s13 =	simm.s32 $0x1900;
	s14 =	simm.s32 $0x3200;
	s15 =	simm.s32 $0x4B00  }
0x5: {  	s16 =	simm.s32 $0x80;
	s17 =	simm.s32 $0x6400;
	s18 =	simm.s32 $0xA400  }
0x6: {  	s19 =	simm.s32 $0xB400;
	s20 =	simm.s32 $0xC400;
	s28 =	simm.s32 $0x13400  }
0x7: {  	s29 =	simm.s32 $0x1;
	s0 =	sand.u32 $0x1, s0;
	s3 =	sshll.u32 s8, $0x1  }
0x8: {  	s30 =	simm.s32 $0xE0;
	s11 =	smul.u32 $0x57800, s8;
	s3 =	sor.u32 s0, s3  }
0x9: {  	s31 =	simm.s32 $0x20;
	s5 =	sadd.s32 $0xA00, s1;
	s4 =	smul.u32 $0x1900, s3  }
0xa: {  	s7 =	ssub.s32 $0x2, s0;
	s0 =	smul.u32 $0x2BC00, s0;
	s3 =	simm.s32 $0x0  }
0xb: {  	s21 =	sshrl.u32 s7, $0x1;
	s26 =	sadd.s32 s11, s6;
	s4 =	sshrl.u32 s4, $0x3  }
0xc: {  	[smem:$0x7FF] =	sst s3;
	s11 =	sadd.s32 s0, s26;
	s9 =	sadd.s32 s4, s1  }
0xd: {  	s0 =	simm.s32 $0x3;
	_ =	strace $0x80000047;
	s22 =	sadd.s32 $0x1200, s9  }
0xe: {  	s4 =	sadd.s32 $0x800, s1;
	s23 =	sadd.s32 $0x7600, s9;
	[dreg:$0x4] =	wrdreg s22  }
.Ltmp0:
0xf: {  	s24 =	sadd.s32 $0xDA00, s9;
	[dreg:$0x5] =	wrdreg s23;
	(pc) =	sbr.rel .LBB2_1-.Ltmp0, $4  }
0x10: {  	s1 =	ssub.s32 s7, s21;
	s25 =	sadd.s32 $0x13E00, s9;
	[dreg:$0x6] =	wrdreg s24  }
0x11: {  	s21 =	simm.s32 $0xD400;
	s1 =	smax.u32 s1, $0x1;
	[dreg:$0x7] =	wrdreg s25  }
0x12: {  	[dreg:$0x8] =	wrdreg s1;
	s23 =	simm.s32 $0x11400;
	s25 =	simm.s32 $0x12400  }
0x13: {  	s1 =	simm.s32 $0x2;
	s22 =	simm.s32 $0x4;
	s24 =	simm.s32 $0x0  }
.LBB2_4:
0x14: {  	s24 =	sadd.s32 $0x1, s24;
	s6 =	rddreg [dreg:$0x8]  }
0x15: {  	p0 =	sne.s32 s24, s6  }
.Ltmp1:
0x16: {  	_ = 	snop;
	(pc) =	sbr.rel @!p0 .LBB2_5-.Ltmp1, $1  }
0x17: {  	_ =	sdelay $0x3  }
.LBB2_1:
0x18: {  	s6 =	rddreg [dreg:$0x4]  }
0x19: {  	[tilespmem:s3], [sflag:$0x5] =	stream.linear.gather [hbm4b:s6+s3], $0x1900, $0x38;
	[tilespmem:$0x14400] =	vst v63  }
0x1a: {  	_ =	swait.ge [sflag:s12], $0x1900  }
0x1b: {  	[sflag:s12] =	ssyncset.done $0x0  }
0x1c: {  	s26 =	rddreg [dreg:$0x5];
	[sflag:s12] =	ssyncadd.s32 $0xFFFFE700  }
0x1d: {  	[tilespmem:s13], [sflag:$0x5] =	stream.linear.gather [hbm4b:s26+s3], $0x1900, $0x38;
	[tilespmem:$0x14400] =	vst v63  }
0x1e: {  	_ =	swait.ge [sflag:s12], $0x1900  }
0x1f: {  	[sflag:s12] =	ssyncset.done $0x0  }
0x20: {  	s7 =	rddreg [dreg:$0x6];
	[sflag:s12] =	ssyncadd.s32 $0xFFFFE700  }
0x21: {  	[tilespmem:s14], [sflag:$0x5] =	stream.linear.gather [hbm4b:s7+s3], $0x1900, $0x38;
	[tilespmem:$0x14400] =	vst v63  }
0x22: {  	_ =	swait.ge [sflag:s12], $0x1900  }
0x23: {  	[sflag:s12] =	ssyncset.done $0x0  }
0x24: {  	s8 =	rddreg [dreg:$0x7];
	[sflag:s12] =	ssyncadd.s32 $0xFFFFE700  }
0x25: {  	[tilespmem:s15], [sflag:$0x5] =	stream.linear.gather [hbm4b:s8+s3], $0x1900, $0x38;
	[tilespmem:$0x14400] =	vst v63  }
0x26: {  	_ =	swait.ge [sflag:s12], $0x1900  }
0x27: {  	[sflag:s12] =	ssyncset.done $0x0  }
0x28: {  	[sflag:s12] =	ssyncadd.s32 $0xFFFFE700  }
0x29: {  	[tilespmem:s17], [sflag:$0x1] =	stream.indirect.gather [hbm4b:s2+s16], $0x80, s3, s16, $0xb8;
	[tilespmem:$0x14400] =	vst v63  }
0x2a: {  	_ = 	snop  }
0x2b: {  	[tilespmem:s18], [sflag:$0x1] =	stream.indirect.gather [hbm4b:s4+s16], $0x20, s13, s16, $0xb8;
	[tilespmem:$0x14400] =	vst v63  }
0x2c: {  	_ = 	snop  }
0x2d: {  	[tilespmem:s19], [sflag:$0x1] =	stream.indirect.gather [hbm4b:s5+s16], $0x20, s14, s16, $0xb8;
	[tilespmem:$0x14400] =	vst v63  }
0x2e: {  	_ = 	snop  }
0x2f: {  	[tilespmem:s20], [sflag:$0x1] =	stream.indirect.gather [hbm4b:s5+s16], $0x20, s15, s16, $0xb8;
	[tilespmem:$0x14400] =	vst v63  }
0x30: {  	_ = 	snop  }
0x31: {  	[tilespmem:s21], [sflag:$0x3] =	stream.indirect.gather [hbm4b:s2+s16], $0x80, s16, s16, $0xb8;
	[tilespmem:$0x14400] =	vst v63  }
0x32: {  	s9 =	simm.s32 $0x1980  }
0x33: {  	[tilespmem:s23], [sflag:$0x3] =	stream.indirect.gather [hbm4b:s4+s16], $0x20, s9, s16, $0xb8;
	[tilespmem:$0x14400] =	vst v63  }
0x34: {  	s10 =	simm.s32 $0x3280  }
0x35: {  	[tilespmem:s25], [sflag:$0x3] =	stream.indirect.gather [hbm4b:s5+s16], $0x20, s10, s16, $0xb8;
	[tilespmem:$0x14400] =	vst v63  }
0x36: {  	s26 =	simm.s32 $0x4B80  }
0x37: {  	[tilespmem:s28], [sflag:$0x3] =	stream.indirect.gather [hbm4b:s5+s16], $0x20, s26, s16, $0xb8;
	[tilespmem:$0x14400] =	vst v63  }
0x38: {  	s6 =	simm.s32 $0x0;
	s26 =	simm.s32 $0x4C80  }
.LBB2_2:
0x39: {  	_ =	swait.ge [sflag:s29], $0x4000  }
0x3a: {  	[sflag:s29] =	ssyncset.done $0x0  }
0x3b: {  	[sflag:s29] =	ssyncadd.s32 $0xFFFFC000  }
0x3c: {  	_ =	swait.ge [sflag:s29], $0x1000  }
0x3d: {  	[sflag:s29] =	ssyncset.done $0x0  }
0x3e: {  	[sflag:s29] =	ssyncadd.s32 $0xFFFFF000  }
0x3f: {  	_ =	swait.ge [sflag:s29], $0x1000  }
0x40: {  	[sflag:s29] =	ssyncset.done $0x0  }
0x41: {  	[sflag:s29] =	ssyncadd.s32 $0xFFFFF000  }
0x42: {  	_ =	swait.ge [sflag:s29], $0x1000  }
0x43: {  	[sflag:s29] =	ssyncset.done $0x0  }
0x44: {  	s7 =	sadd.s32 s6, s11;
	[sflag:s29] =	ssyncadd.s32 $0xFFFFF000  }
0x45: {  	[hbm4b:s7+s16] =	stream.strided.scatter [tilespmem:s17], [sflag:$0x2], $0x4000, s30, s16, $0x38;
	[tilespmem:$0x14400] =	vst v63  }
0x46: {  	s8 =	sadd.s32 $0x10, s7  }
0x47: {  	[hbm4b:s8+s31] =	stream.strided.scatter [tilespmem:s18], [sflag:$0x2], $0x1000, s30, s31, $0x38;
	[tilespmem:$0x14400] =	vst v63  }
0x48: {  	s10 =	sadd.s32 $0x14, s7  }
0x49: {  	[hbm4b:s10+s31] =	stream.strided.scatter [tilespmem:s19], [sflag:$0x2], $0x1000, s30, s31, $0x38;
	[tilespmem:$0x14400] =	vst v63  }
0x4a: {  	s9 =	sadd.s32 $0x18, s7  }
0x4b: {  	[hbm4b:s9+s31] =	stream.strided.scatter [tilespmem:s20], [sflag:$0x2], $0x1000, s30, s31, $0x38;
	[tilespmem:$0x14400] =	vst v63  }
0x4c: {  	_ =	swait.ge [sflag:s1], $0x4000  }
0x4d: {  	[sflag:s1] =	ssyncset.done $0x0  }
0x4e: {  	[sflag:s1] =	ssyncadd.s32 $0xFFFFC000  }
0x4f: {  	_ =	swait.ge [sflag:s1], $0x1000  }
0x50: {  	[sflag:s1] =	ssyncset.done $0x0  }
0x51: {  	[sflag:s1] =	ssyncadd.s32 $0xFFFFF000  }
0x52: {  	_ =	swait.ge [sflag:s1], $0x1000  }
0x53: {  	[sflag:s1] =	ssyncset.done $0x0  }
0x54: {  	[sflag:s1] =	ssyncadd.s32 $0xFFFFF000  }
0x55: {  	p0 =	seq.s32 s6, $0x2A000;
	_ =	swait.ge [sflag:s1], $0x1000  }
0x56: {  	s8 =	sadd.s32 @!p0 $0xFFFFB480, s26;
	[sflag:s1] =	ssyncset.done $0x0  }
0x57: {  	s10 =	simm.s32 @!p0 $0x6400;
	s9 =	simm.s32 @!p0 $0x80;
	[sflag:s1] =	ssyncadd.s32 $0xFFFFF000  }
0x58: {  	[tilespmem:s10], [sflag:$0x1] =	stream.indirect.gather @!p0 [hbm4b:s2+s9], $0x80, s8, s9, $0xb8;
	[tilespmem:$0x14400] =	vst v63  }
0x59: {  	s8 =	sadd.s32 @!p0 $0xFFFFCD80, s26;
	s10 =	simm.s32 @!p0 $0xA400  }
0x5a: {  	[tilespmem:s10], [sflag:$0x1] =	stream.indirect.gather @!p0 [hbm4b:s4+s9], $0x20, s8, s9, $0xb8;
	[tilespmem:$0x14400] =	vst v63  }
0x5b: {  	s8 =	sadd.s32 @!p0 $0xFFFFE680, s26;
	s10 =	simm.s32 @!p0 $0xB400  }
0x5c: {  	[tilespmem:s10], [sflag:$0x1] =	stream.indirect.gather @!p0 [hbm4b:s5+s9], $0x20, s8, s9, $0xb8;
	[tilespmem:$0x14400] =	vst v63  }
0x5d: {  	s8 =	sadd.s32 @!p0 $0xFFFFFF80, s26;
	s10 =	simm.s32 @!p0 $0xC400  }
0x5e: {  	[tilespmem:s10], [sflag:$0x1] =	stream.indirect.gather @!p0 [hbm4b:s5+s9], $0x20, s8, s9, $0xb8;
	[tilespmem:$0x14400] =	vst v63  }
0x5f: {  	_ =	swait.ge [sflag:s0], $0x4000  }
0x60: {  	[sflag:s0] =	ssyncset.done $0x0  }
0x61: {  	[sflag:s0] =	ssyncadd.s32 $0xFFFFC000  }
0x62: {  	_ =	swait.ge [sflag:s0], $0x1000  }
0x63: {  	[sflag:s0] =	ssyncset.done $0x0  }
0x64: {  	[sflag:s0] =	ssyncadd.s32 $0xFFFFF000  }
0x65: {  	_ =	swait.ge [sflag:s0], $0x1000  }
0x66: {  	[sflag:s0] =	ssyncset.done $0x0  }
0x67: {  	[sflag:s0] =	ssyncadd.s32 $0xFFFFF000  }
0x68: {  	_ =	swait.ge [sflag:s0], $0x1000  }
0x69: {  	[sflag:s0] =	ssyncset.done $0x0  }
0x6a: {  	s10 =	sadd.s32 $0xE00, s7;
	[sflag:s0] =	ssyncadd.s32 $0xFFFFF000  }
0x6b: {  	[hbm4b:s10+s16] =	stream.strided.scatter [tilespmem:s21], [sflag:$0x4], $0x4000, s30, s16, $0x38;
	[tilespmem:$0x14400] =	vst v63  }
0x6c: {  	s9 =	sadd.s32 $0xE10, s7  }
0x6d: {  	[hbm4b:s9+s31] =	stream.strided.scatter [tilespmem:s23], [sflag:$0x4], $0x1000, s30, s31, $0x38;
	[tilespmem:$0x14400] =	vst v63  }
0x6e: {  	s10 =	sadd.s32 $0xE14, s7  }
0x6f: {  	[hbm4b:s10+s31] =	stream.strided.scatter [tilespmem:s25], [sflag:$0x4], $0x1000, s30, s31, $0x38;
	[tilespmem:$0x14400] =	vst v63  }
0x70: {  	s7 =	sadd.s32 $0xE18, s7  }
0x71: {  	[hbm4b:s7+s31] =	stream.strided.scatter [tilespmem:s28], [sflag:$0x4], $0x1000, s30, s31, $0x38;
	[tilespmem:$0x14400] =	vst v63  }
0x72: {  	_ =	swait.ge [sflag:s22], $0x4000  }
0x73: {  	[sflag:s22] =	ssyncset.done $0x0  }
0x74: {  	[sflag:s22] =	ssyncadd.s32 $0xFFFFC000  }
0x75: {  	_ =	swait.ge [sflag:s22], $0x1000  }
0x76: {  	[sflag:s22] =	ssyncset.done $0x0  }
0x77: {  	[sflag:s22] =	ssyncadd.s32 $0xFFFFF000  }
0x78: {  	_ =	swait.ge [sflag:s22], $0x1000  }
.Ltmp2:
0x79: {  	[sflag:s22] =	ssyncset.done $0x0;
	(pc) =	sbr.rel @p0 .LBB2_4-.Ltmp2, $4  }
0x7a: {  	[sflag:s22] =	ssyncadd.s32 $0xFFFFF000  }
0x7b: {  	_ =	swait.ge [sflag:s22], $0x1000  }
0x7c: {  	[sflag:s22] =	ssyncset.done $0x0  }
0x7d: {  	[sflag:s22] =	ssyncadd.s32 $0xFFFFF000  }
0x7e: {  	s7 =	sadd.s32 $0xFFFFB500, s26  }
0x7f: {  	[tilespmem:s21], [sflag:$0x3] =	stream.indirect.gather [hbm4b:s2+s16], $0x80, s7, s16, $0xb8;
	[tilespmem:$0x14400] =	vst v63  }
0x80: {  	s9 =	sadd.s32 $0xFFFFCE00, s26  }
0x81: {  	[tilespmem:s23], [sflag:$0x3] =	stream.indirect.gather [hbm4b:s4+s16], $0x20, s9, s16, $0xb8;
	[tilespmem:$0x14400] =	vst v63  }
.Ltmp3:
0x82: {  	s10 =	sadd.s32 $0xFFFFE700, s26;
	(pc) =	sbr.rel .LBB2_2-.Ltmp3, $4  }
0x83: {  	[tilespmem:s25], [sflag:$0x3] =	stream.indirect.gather [hbm4b:s5+s16], $0x20, s10, s16, $0xb8;
	[tilespmem:$0x14400] =	vst v63  }
0x84: {  	_ = 	snop  }
0x85: {  	[tilespmem:s28], [sflag:$0x3] =	stream.indirect.gather [hbm4b:s5+s16], $0x20, s26, s16, $0xb8;
	[tilespmem:$0x14400] =	vst v63  }
0x86: {  	s6 =	sadd.s32 $0x1C00, s6;
	s26 =	sadd.s32 $0x100, s26  }
.LBB2_5:
0x87: {  	_ =	sfence.sel $0x180000  }
0x88: {  	[bflag:$0x0] =	sbarrier.arrive $0xFFFF  }
0x89: {  	_ =	strace $0x90000047  }
0x8a: {  	s0 =	stileid.u32;
	[bflag:$0x2] =	sbarrier.arrive $0xFFFF  }
0x8b: {  	p0 =	sne.s32 s0, $0x0;
	s0 =	rddreg [dreg:$0x3]  }
0x8c: {  	s0 =	sadd.s32 @!p0 $0x100000, s0  }
0x8d: {  	[sflag:s0] =	ssyncadd.tile.s32 @!p0 $0x1;
	_ =	shalt  }
.Lfunc_end2:
_tile_overlayer_lowered:
.L_overlay_start_2:
0x8e: {  	(tag) =	ssettag $0x2  }
0x8f: {  	s0 =	rddreg [dreg:$0x0];
	s2 =	stileid.u32  }
0x90: {  	s1 =	rddreg [dreg:$0x1];
	p0 =	sne.s32 s2, $0x0  }
0x91: {  	s3 =	rddreg [dreg:$0x2];
	[bflag:$0x3] =	sbarrier.arrive $0xFFFF;
	s2 =	simm.s32 @!p0 $0x1C05  }
0x92: {  	[timem:s3], [sflag:s2] =	dma.local @!p0 [hbm:s0], s1  }
0x93: {  	s0 =	simm.s32 @!p0 $0x5  }
0x94: {  	_ =	swait.ge @!p0 [sflag:s0], s1  }
0x95: {  	s1 =	ssub.s32 @!p0 $0x0, s1;
	[sflag:s0] =	ssyncset.done @!p0 $0x0  }
0x96: {  	[sflag:s0] =	ssyncadd.s32 @!p0 s1  }
0x97: {  	[bflag:$0x3] =	sbarrier.arrive $0xFFFF  }
0x98: {  	_ =	shalt  }

// kernel: sparse-core-data-format-call.cloned.1.call-start
scs
called_computation_lowered:
.L_overlay_start_0:
0x0: {  	s2 =	sld [smem:$0x3FD9]  }
0x1: {  	s3 =	sld [smem:$0x3FFE];
	_ =	sdelay $0x1  }
0x2: {  	s1 =	srdreg.scid  }
0x3: {  	s0 =	sand.u32 $0x1, s1  }
0x4: {  	s18 =	sshll.u32 s0, $0xA;
	s2 =	sadd.s32 s3, s2  }
0x5: {  	s2 =	sadd.s32 s2, s18  }
0x6: {  	[smem:$0x3FC1] =	sst s2  }
0x7: {  	_ = 	snop  }
0x8: {  	s2 =	sld [smem:$0x3FD0];
	(tm) =	ssettm $0x1  }
0x9: {  	s19 =	sld [smem:$0x3FFB];
	_ =	sdelay $0x3  }
0xa: {  	_ =	strace s19  }
0xb: {  	s3 =	sld [smem:$0x3FFC];
	_ =	sdelay $0x3  }
0xc: {  	_ =	strace s3  }
0xd: {  	s3 =	sld [smem:$0x3FFD];
	_ =	sdelay $0x3  }
0xe: {  	_ =	strace s3  }
0xf: {  	_ =	strace $0x8FFFFFFF  }
0x10: {  	s20 =	sld [smem:$0x3FDB];
	_ =	sdelay $0x1  }
0x11: {  	s4 =	simm.s32 $_scs_section_size  }
0x12: {  	s5 =	simm.s32 $_size__tile_overlayer_lowered;
	s6 =	simm.s32 $_tile_overlayer_lowered  }
0x13: {  	s23 =	simm.s32 $0x1BFF;
	s22 =	sshll.u32 s6, $0x1;
	s3 =	sadd.s32 s4, s20  }
0x14: {  	s7 =	simm.s32 $0x0;
	s21 =	sshll.u32 s5, $0x1;
	s5 =	sadd.s32 s22, s3  }
0x15: {  	[timem:s7], [sflag:s23] =	dma.local [hbm:s5], s21  }
0x16: {  	_ =	swait.ge [sflag:s23], s21  }
0x17: {  	s4 =	ssub.s32 $0x0, s21;
	[sflag:s23] =	ssyncset.done $0x0  }
0x18: {  	[sflag:s23] =	ssyncadd.s32 s4;
	_ =	sdelay $0x1  }
0x19: {  	s24 =	simm.s32 $0x1B8B  }
0x1a: {  	_ =	swait.ge [sflag:s24], $0x1  }
0x1b: {  	[sflag:s24] =	ssyncset.done $0x0  }
0x1c: {  	s26 =	simm.s32 $0x1B8E;
	s25 =	sld [smem:$0x3FFE];
	[sflag:s24] =	ssyncadd.s32 $0xFFFFFFFF  }
0x1d: {  	s27 =	simm.s32 $execute0_lowered;
	[smem:$0x3FD2] =	sst s26  }
0x1e: {  	s5 =	sshll.u32 s27, $0x1;
	_ =	strace $0x80000049;
	[dreg:$0x1] =	wrdreg $0xFFFFFFFF  }
0x1f: {  	s28 =	simm.s32 $_size_execute0_lowered;
	s3 =	sadd.s32 s3, s5;
	[dreg:$0x0] =	wrdreg $0x0  }
0x20: {  	s5 =	sshll.u32 s28, $0x1;
	[dreg:$0x2] =	wrdreg s3  }
0x21: {  	[dreg:$0x3] =	wrdreg s5  }
0x22: {  	[dreg:$0x4] =	wrdreg $0xC0  }
0x23: {  	_ =	task [dreg:s7], $0x5FFFF  }
0x24: {  	[dreg:$0x1] =	wrdreg $0xFFFFFFFF  }
0x25: {  	[dreg:$0x0] =	wrdreg $0x60  }
0x26: {  	[dreg:$0x2] =	wrdreg s25  }
0x27: {  	[dreg:$0x3] =	wrdreg s2  }
0x28: {  	[dreg:$0x4] =	wrdreg $0x9  }
0x29: {  	_ =	task.clear_ibuf [dreg:s7], $0x5FFFF;
	_ =	strace $0x90000049  }
0x2a: {  	s29 =	simm.s32 $0x9;
	_ =	strace $0x8000004B  }
0x2b: {  	_ =	swait.ge [sflag:s29], $0x1  }
0x2c: {  	[sflag:s29] =	ssyncadd.s32 $0xFFFFFFFF  }
0x2d: {  	_ =	strace $0x9000004B  }
0x2e: {  	_ =	sfence  }
0x2f: {  	s30 =	sld [smem:$0x0];
	_ =	sdelay $0x2  }
0x30: {  	s31 =	sshll.u32 s1, $0xD;
	s1 =	sshrl.u32 s1, $0x2  }
0x31: {  	s3 =	sand.u32 $0x4000, s31;
	s1 =	sadd.s32 s1, s30  }
0x32: {  	s0 =	sor.u32 s3, s0;
	s1 =	sshll.u32 s1, $0x11  }
0x33: {  	s0 =	sor.u32 s1, s0  }
0x34: {  	s0 =	sadd.s32 $0x8F2B, s0  }
0x35: {  	[sflag:s0] =	ssyncadd.remote.s32 $0x1  }
0x36: {  	_ =	sfence.sel $0xFFFF  }
0x37: {  	[dreg:$0x0] =	wrdreg $0xFFFFFFFF;
	(pc) =	sbr.abs _section_cstart, $3  }
0x38: {  	[dreg:$0x1] =	wrdreg $0xFFFFFFFF  }
0x39: {  	_ =	task.clear_ibuf [dreg:s7], $0x2FFFF;
	_ =	strace $0x9FFFFFFF  }
0x3a: {  	(tm) =	ssettm $0x7FFFFFFF  }
0x3b: {  	_ =	shalt  }
tec
execute0_lowered:
.L_overlay_start_1:
0x0: {  	(tag) =	ssettag $0x1  }
0x1: {  	s5 =	rddreg [dreg:$0x0]  }
0x2: {  	s0 =	srdreg.scid;
	s3 =	rddreg [dreg:$0x1];
	s7 =	simm.s32 $0x1  }
0x3: {  	s8 =	simm.s32 $0x2;
	s15 =	simm.s32 $0x0;
	s1 =	sshll.u32 s0, $0x4  }
0x4: {  	s14 =	simm.s32 $0x0;
	s0 =	stileid.u32;
	s1 =	sand.u32 $0x10, s1  }
0x5: {  	s9 =	simm.s32 $0x0;
	s10 =	simm.s32 $0x0;
	s1 =	sor.u32 s0, s1  }
0x6: {  	s11 =	simm.s32 $0x0;
	s13 =	simm.s32 $0x0;
	s2 =	sshll.u32 s1, $0x7  }
0x7: {  	s5 =	sadd.s32 $0x800, s5;
	s1 =	rddreg [dreg:$0x2];
	s6 =	ssub.s32 $0x32000, s2  }
.Ltmp0:
0x8: {  	_ =	strace $0x8000004A;
	s4 =	sand.u32 $0xF80, s6;
	(pc) =	sbr.rel .LBB1_1-.Ltmp0, $4  }
0x9: {  	s12 =	smov.u32 s2;
	p0 =	sne.s32 s4, $0x0;
	s4 =	simm.s32 $0x1  }
0xa: {  	s6 =	sshrl.u32 s6, $0xC;
	s7 =	simm.s32 @!p0 $0x0;
	[sflag:s4] =	ssyncpa.u1 $0x0  }
0xb: {  	p0 =	por $0x0, $0x0;
	s7 =	sadd.s32 s7, s6;
	[sflag:s8] =	ssyncpa.u1 $0x0  }
0xc: {  	s8 =	simm.s32 $0x190000;
	s6 =	sshll.u32 s7, $0x1;
	s7 =	sshllo.u32 s7, $0x1  }
.LBB1_4:
0xd: {  	s21 =	sshrl.u32 s9, $0x3;
	s22 =	sshll.u32 s10, $0x3  }
0xe: {  	s20 =	sshra.s32 s20, $0x2;
	s23 =	sshll.u32 s9, $0x7;
	s24 =	sand.u32 $0x7F, s10  }
0xf: {  	p1 =	sgt.s32 s9, $0x60;
	s28 =	sshra.s32 s9, $0x1F;
	s21 =	smul.u32 $0x190000, s21  }
0x10: {  	s29 =	sshra.s32 s10, $0x1F;
	s22 =	sand.u32 $0xFFFFFC00, s22;
	s25 =	sand.u32 $0x380, s23  }
0x11: {  	s19 =	sadd.s32 s20, s19;
	s26 =	sor.u32 s24, s25;
	s21 =	sadd.s32 s22, s21  }
0x12: {  	s27 =	smulhi.u32 $0x51EB851F, s21;
	s20 =	sor.u32 s21, s26;
	s21 =	smov.u32 s9  }
0x13: {  	v5 =	vld [tilespmem:s17+$0xFFFFFFD0];
	[tilespmem:s18+$0x2040 ss:$0x81] =	vst.msk $0xffff, v4;
	s23 =	sand.u32 s28, s9;
	s24 =	sand.u32 s29, s10;
	s21 =	simm.s32 @!p1 $0x60  }
0x14: {  	v58 =	vld [tilespmem:s17+$0xFFFFFFE0];
	[tilespmem:s18+$0x2850 ss:$0x81] =	vst.msk $0xffff, v3;
	p1 =	sgt.s32 s10, $0x31F80;
	s30 =	smulhi.u32 $0x51EB851F, s20;
	s22 =	sshrl.u32 s27, $0x10  }
0x15: {  	v59 =	vld [tilespmem:s17+$0xFFFFFFF0];
	[tilespmem:s18+$0x3060 ss:$0x81] =	vst.msk $0xffff, v2;
	s21 =	ssub.s32 s21, s23;
	s23 =	smov.u32 s10;
	s25 =	smul.u32 $0x4925, s22  }
0x16: {  	v60 =	vld [tilespmem:s17+$0x0];
	[tilespmem:s18+$0x0 ss:$0x81] =	vst.msk $0xffff, v0;
	s23 =	simm.s32 @!p1 $0x31F80;
	s31 =	sadd.s32 $0xFFFFFFA0, s21;
	s18 =	sshrl.u32 s30, $0x10  }
0x17: {  	v61 =	vld [tilespmem:s17+$0x10];
	[tilespmem:s19+$0x3870 ss:$0x81] =	vst.msk $0xffff, v1;
	s23 =	ssub.s32 s23, s24;
	s28 =	smul.u32 $0x32000, s18;
	s25 =	sshrl.u32 s25, $0x16  }
0x18: {  	v62 =	vld [tilespmem:s17+$0x20];
	[tilespmem:s19+$0x810 ss:$0x81] =	vst.msk $0xffff, v5;
	p1 =	sgt.s32 s31, $0x7F;
	s26 =	sadd.s32 $0xFFFCE080, s23;
	s27 =	smul.u32 $0xE0, s25  }
0x19: {  	v63 =	vld [tilespmem:s17+$0xFFFFFFC0];
	[tilespmem:s19+$0x1020 ss:$0x81] =	vst.msk $0xffff, v58;
	s18 =	ssub.s32 $0xE0, s21;
	s21 =	ssub.s32 $0x32000, s23;
	p2 =	sgt.s32 s26, $0x7F  }
0x1a: {  	[tilespmem:s19+$0x1830 ss:$0x81] =	vst.msk $0xffff, v59;
	s18 =	simm.s32 @p1 $0x0;
	s21 =	simm.s32 @p2 $0x0;
	s22 =	ssub.s32 s22, s27  }
0x1b: {  	[tilespmem:s19+$0x2040 ss:$0x81] =	vst.msk $0xffff, v60;
	s17 =	ssub.s32 s20, s28;
	s18 =	smul.u32 s21, s18;
	s29 =	sand.u32 $0xFFFF, s22  }
0x1c: {  	[tilespmem:s19+$0x2850 ss:$0x81] =	vst.msk $0xffff, v61;
	s30 =	sshrl.u32 s17, $0x3;
	s17 =	sand.u32 $0x7, s17;
	s20 =	smul.u32 $0x6400, s29  }
0x1d: {  	[tilespmem:s19+$0x3060 ss:$0x81] =	vst.msk $0xffff, v62;
	s21 =	sadd.s32 s3, s30;
	s17 =	sshll.u32 s17, $0x12  }
0x1e: {  	[tilespmem:s19+$0x0 ss:$0x81] =	vst.msk $0xffff, v63;
	s17 =	sor.u32 $0x400, s17;
	s18 =	sand.u32 $0x3FFFFFFF, s18;
	s31 =	sadd.s32 s20, s21  }
0x1f: {  	[hbm4b:s31+s17] =	stream.strided.scatter [tilespmem:s16], [sflag:$0x2], s18, s8, s17, $0x20;
	[tilespmem:$0x10100] =	vst v63  }
.LBB1_5:
0x20: {  	p1 =	slt.u32 s13, $0x2  }
0x21: {  	s17 =	smov.u32 s15;
	p2 =	sgt.s32 @!p1 s15, $0x60;
	s16 =	sshra.s32 @!p1 s15, $0x1F  }
0x22: {  	p3 =	sgt.s32 @!p1 s14, $0x31F80;
	s18 =	sshra.s32 @!p1 s14, $0x1F;
	p2 =	por !p2, p1  }
0x23: {  	s15 =	sand.u32 @!p1 s16, s15;
	p3 =	por !p3, p1;
	s16 =	smov.u32 s14  }
0x24: {  	s14 =	sand.u32 @!p1 s18, s14;
	s17 =	simm.s32 @p2 $0x60;
	s16 =	simm.s32 @p3 $0x31F80  }
0x25: {  	s15 =	ssub.s32 @!p1 s17, s15;
	s14 =	ssub.s32 @!p1 s16, s14  }
0x26: {  	s18 =	smov.u32 s12;
	s16 =	sadd.s32 @!p1 $0xFFFFFFA0, s15;
	s17 =	sadd.s32 @!p1 $0xFFFCE080, s14  }
0x27: {  	s15 =	ssub.s32 @!p1 $0xE0, s15;
	p2 =	sgt.s32 @!p1 s16, $0x7F;
	p3 =	sgt.s32 @!p1 s17, $0x7F  }
0x28: {  	s14 =	ssub.s32 @!p1 $0x32000, s14;
	p2 =	por !p2, p1;
	p3 =	por !p3, p1  }
0x29: {  	s16 =	sadd.s32 $0x80, s11;
	s15 =	simm.s32 @!p2 $0x0;
	s14 =	simm.s32 @!p3 $0x0  }
0x2a: {  	p2 =	sgt.s32 s16, $0xDF;
	s14 =	smul.u32 @!p1 s14, s15;
	s15 =	sadd.s32 $0x1000, s12  }
0x2b: {  	s18 =	smov.u32 @p2 s15  }
0x2c: {  	s16 =	simm.s32 @p2 $0x0;
	p2 =	sgt.s32 s18, $0x31FFF  }
0x2d: {  	s18 =	smov.u32 @p2 s2;
	p2 =	sne.s32 s13, s7  }
.Ltmp1:
0x2e: {  	p0 =	por !p0, !p0;
	s17 =	simm.s32 @!p1 $0x2;
	(pc) =	sbr.rel @!p2 .LBB1_6-.Ltmp1, $4  }
0x2f: {  	s15 =	smov.u32 s9;
	s9 =	smov.u32 s11;
	s14 =	sand.u32 @!p1 $0x3FFFFFFF, s14  }
0x30: {  	s11 =	smov.u32 s16;
	_ =	swait.ge @!p1 [sflag:s17], s14;
	s19 =	ssub.s32 @!p1 $0x0, s14  }
0x31: {  	s14 =	smov.u32 s10;
	s13 =	sadd.s32 $0x1, s13;
	[sflag:s17] =	ssyncset.done @!p1 $0x0  }
0x32: {  	s10 =	smov.u32 s12;
	s12 =	smov.u32 s18;
	[sflag:s17] =	ssyncadd.s32 @!p1 s19  }
.LBB1_1:
0x33: {  	p1 =	sge.u32 s13, s6  }
0x34: {  	s16 =	sshll.u32 @!p1 s12, $0x8;
	s17 =	sshll.u32 @!p1 s11, $0x3  }
0x35: {  	s18 =	sshll.u32 @!p1 s12, $0x7;
	s16 =	sand.u32 @!p1 $0xFFFFF800, s16;
	s17 =	sand.u32 @!p1 $0xFFFFFC00, s17  }
0x36: {  	s16 =	sadd.s32 @!p1 s16, s17;
	s17 =	sand.u32 @!p1 $0x300, s18  }
0x37: {  	s16 =	sor.u32 @!p1 s17, s16  }
0x38: {  	s16 =	sshrl.u32 @!p1 s16, $0x8  }
0x39: {  	s17 =	smulhi.u32 @!p1 $0x147AE15, s16;
	_ =	sdelay $0x1  }
0x3a: {  	s19 =	sxor.u32 @!p1 $0xFFFFFFFF, s13;
	s20 =	sand.u32 @!p1 $0x78, s11;
	s17 =	sshrl.u32 @!p1 s17, $0xA  }
0x3b: {  	s19 =	sshll.u32 @!p1 s19, $0xE;
	s18 =	sand.u32 @!p1 $0x80, s18;
	s17 =	smul.u32 @!p1 $0x32000, s17  }
0x3c: {  	s31 =	sadd.s32 $0xFFFFFFFF, s13;
	s19 =	sand.u32 @!p1 $0x4000, s19;
	s18 =	sor.u32 @!p1 s20, s18  }
0x3d: {  	s16 =	ssub.s32 @!p1 s16, s17;
	s17 =	sshrl.u32 @!p1 s18, $0x3;
	s18 =	sand.u32 @!p1 $0x7, s11  }
0x3e: {  	s16 =	sshll.u32 @!p1 s16, $0x5;
	s17 =	sadd.s32 @!p1 s5, s17;
	s18 =	sshll.u32 @!p1 s18, $0x12  }
0x3f: {  	s16 =	sadd.s32 @!p1 s16, s17;
	s17 =	sor.u32 @!p1 $0x400, s18;
	s18 =	simm.s32 @!p1 $0x800  }
0x40: {  	[tilespmem:s19], [sflag:$0x1] =	stream.strided.gather @!p1 [hbm4b:s16+s17], $0x4000, s18, s17, $0x38;
	[tilespmem:$0x10100] =	vst v63  }
0x41: {  	p1 =	sge.u32 s31, s6  }
.Ltmp2:
0x42: {  	_ = 	snop;
	(pc) =	sbr.rel @p1 .LBB1_5-.Ltmp2, $1  }
0x43: {  	_ =	sdelay $0x3  }
0x44: {  	s16 =	simm.s32 $0x1  }
0x45: {  	_ =	swait.ge [sflag:s4], $0x4000;
	s16 =	simm.s32 @!p0 $0x0  }
0x46: {  	[sflag:s4] =	ssyncset.done $0x0;
	s17 =	sshll.u32 s16, $0xE  }
0x47: {  	[sflag:s4] =	ssyncadd.s32 $0xFFFFC000;
	s17 =	sor.u32 $0x40, s17  }
0x48: {  	s16 =	smul.u32 $0x10200, s16;
	v0 =	vld [tilespmem:s17+$0x30]  }
0x49: {  	v1 =	vld [tilespmem:s17+$0xFFFFFFD0]  }
0x4a: {  	s16 =	sshrl.u32 s16, $0x2;
	v5 =	vld [tilespmem:s17+$0xFFFFFFE0]  }
0x4b: {  	v6 =	vld [tilespmem:s17+$0xFFFFFFF0];
	s19 =	sor.u32 $0x8000, s16  }
0x4c: {  	s31 =	sand.u32 $0x1, s13;
	v4 =	vld [tilespmem:s17+$0x0];
	s18 =	sadd.s32 $0x0, s19  }
0x4d: {  	v3 =	vld [tilespmem:s17+$0x10];
	s16 =	smul.u32 $0x10200, s31;
	[tilespmem:s18+$0x3870 ss:$0x81] =	vst.msk $0xffff, v0  }
0x4e: {  	v2 =	vld [tilespmem:s17+$0x20];
	[tilespmem:s18+$0x810 ss:$0x81] =	vst.msk $0xffff, v1  }
0x4f: {  	s16 =	sshrl.u32 s16, $0x2;
	v0 =	vld [tilespmem:s17+$0xFFFFFFC0];
	[tilespmem:s18+$0x1020 ss:$0x81] =	vst.msk $0xffff, v5;
	s17 =	sadd.s32 $0x80, s17  }
0x50: {  	s20 =	simm.s32 $0x4;
	s21 =	simm.s32 $0x8;
	s16 =	sor.u32 $0x8000, s16;
	[tilespmem:s18+$0x1830 ss:$0x81] =	vst.msk $0xffff, v6;
	v1 =	vld [tilespmem:s17+$0x30]  }
.LBB1_3:
0x51: {  	p1 =	sne.s32 s21, $0x1FC;
	v5 =	vld [tilespmem:s17+$0xFFFFFFD0];
	[tilespmem:s18+$0x2040 ss:$0x81] =	vst.msk $0xffff, v4  }
0x52: {  	v6 =	vld [tilespmem:s17+$0xFFFFFFE0];
	[tilespmem:s18+$0x2850 ss:$0x81] =	vst.msk $0xffff, v3  }
0x53: {  	s22 =	sshra.s32 s20, $0x2;
	s20 =	smov.u32 s21;
	v7 =	vld [tilespmem:s17+$0xFFFFFFF0];
	[tilespmem:s18+$0x3060 ss:$0x81] =	vst.msk $0xffff, v2  }
.Ltmp3:
0x54: {  	v4 =	vld [tilespmem:s17+$0x0];
	[tilespmem:s18+$0x0 ss:$0x81] =	vst.msk $0xffff, v0;
	s18 =	sadd.s32 s22, s19;
	(pc) =	sbr.rel @p1 .LBB1_3-.Ltmp3, $4  }
0x55: {  	v3 =	vld [tilespmem:s17+$0x10];
	[tilespmem:s18+$0x3870 ss:$0x81] =	vst.msk $0xffff, v1  }
0x56: {  	[tilespmem:s18+$0x810 ss:$0x81] =	vst.msk $0xffff, v5;
	v2 =	vld [tilespmem:s17+$0x20]  }
0x57: {  	v0 =	vld [tilespmem:s17+$0xFFFFFFC0];
	[tilespmem:s18+$0x1020 ss:$0x81] =	vst.msk $0xffff, v6;
	s17 =	sadd.s32 $0x80, s17  }
0x58: {  	s21 =	sadd.s32 $0x4, s21;
	v1 =	vld [tilespmem:s17+$0x30];
	[tilespmem:s18+$0x1830 ss:$0x81] =	vst.msk $0xffff, v7  }
.Ltmp4:
0x59: {  	_ = 	snop;
	(pc) =	sbr.rel .LBB1_4-.Ltmp4, $1  }
0x5a: {  	_ =	sdelay $0x3  }
.LBB1_6:
0x5b: {  	_ =	sfence.sel $0x180000  }
0x5c: {  	s2 =	simm.s32 $0x1;
	[bflag:$0x0] =	sbarrier.arrive $0xFFFF  }
0x5d: {  	s31 =	simm.s32 $0x2;
	[sflag:s2] =	ssyncpa.u1 $0x1  }
0x5e: {  	[sflag:s31] =	ssyncpa.u1 $0x1  }
0x5f: {  	p0 =	sne.s32 s0, $0x0;
	_ =	strace $0x9000004A  }
0x60: {  	s0 =	sadd.s32 @!p0 $0x100000, s1;
	[bflag:$0x2] =	sbarrier.arrive $0xFFFF  }
0x61: {  	[sflag:s0] =	ssyncadd.tile.s32 @!p0 $0x1;
	_ =	shalt  }
.Lfunc_end1:
_tile_overlayer_lowered:
.L_overlay_start_2:
0x62: {  	(tag) =	ssettag $0x2  }
0x63: {  	s0 =	rddreg [dreg:$0x0];
	s2 =	stileid.u32  }
0x64: {  	s1 =	rddreg [dreg:$0x1];
	p0 =	sne.s32 s2, $0x0  }
0x65: {  	s3 =	rddreg [dreg:$0x2];
	[bflag:$0x3] =	sbarrier.arrive $0xFFFF;
	s2 =	simm.s32 @!p0 $0x1C01  }
0x66: {  	[timem:s3], [sflag:s2] =	dma.local @!p0 [hbm:s0], s1  }
0x67: {  	s0 =	simm.s32 @!p0 $0x1  }
0x68: {  	_ =	swait.ge @!p0 [sflag:s0], s1  }
0x69: {  	s1 =	ssub.s32 @!p0 $0x0, s1;
	[sflag:s0] =	ssyncset.done @!p0 $0x0  }
0x6a: {  	[sflag:s0] =	ssyncadd.s32 @!p0 s1  }
0x6b: {  	[bflag:$0x3] =	sbarrier.arrive $0xFFFF  }
0x6c: {  	_ =	shalt  }

</sc_bundles>
